<compile_context>
chip_gen: v7x
topology: tpu7x:2x2x1
jax: 0.10.2.dev20260603
libtpu: 0.0.44.dev20260713+nightly
codegen_flags: <defaults>
</compile_context>

<pallas_src>
import jax
import jax.numpy as jnp
from jax import lax
from jax.experimental import pallas as pl
from jax.experimental.pallas import tpu as pltpu
from jax.experimental.pallas import tpu_sc as plsc

D = 64
GRP = 128
NC, NS = 2, 16
NW = NC * NS
GPB = 4
CH = GPB * GRP
NBUF = 3


def _gather_body(x_hbm, table_hbm, out_hbm, idx_v,
                 rows0, rows1, rows2, sg0, sg1, sg2, so0, so1, so2):
    wid = lax.axis_index("s") * NC + lax.axis_index("c")
    gw = x_hbm.shape[0] // NW
    n_chunks = gw // GPB
    row_base = wid * gw * GRP

    pltpu.sync_copy(x_hbm.at[pl.ds(wid * gw, gw)], idx_v)

    rows = (rows0, rows1, rows2)
    sg = (sg0, sg1, sg2)
    so = (so0, so1, so2)

    def issue_gathers(g, b):
        for j in range(GPB):
            pltpu.async_copy(
                table_hbm.at[idx_v.at[g * GPB + j]],
                rows[b].at[pl.ds(j * GRP, GRP)],
                sg[b])

    def drain_gathers(b):
        for j in range(GPB):
            pltpu.make_async_copy(
                table_hbm.at[idx_v.at[0]],
                rows[b].at[pl.ds(j * GRP, GRP)],
                sg[b]).wait()

    def issue_writeout(g, b):
        pltpu.async_copy(rows[b], out_hbm.at[pl.ds(row_base + g * CH, CH)],
                         so[b])

    def drain_writeout(b):
        pltpu.make_async_copy(rows[b], out_hbm.at[pl.ds(row_base, CH)],
                              so[b]).wait()

    def step(g, b, wait_prev=True, issue_next=True):
        drain_gathers(b)
        issue_writeout(g, b)
        if issue_next:
            bn = (b + 2) % NBUF
            if wait_prev:
                drain_writeout(bn)
            issue_gathers(g + 2, bn)

    issue_gathers(0, 0)
    issue_gathers(1, 1)
    step(0, 0, wait_prev=False)

    steady = (n_chunks - 3) // NBUF

    @pl.loop(0, steady)
    def _steady(t):
        for k in range(NBUF):
            g = 1 + t * NBUF + k
            step(g, (1 + k) % NBUF)

    for g in range(1 + steady * NBUF, n_chunks - 2):
        step(g, g % NBUF)
    for g in range(n_chunks - 2, n_chunks):
        step(g, g % NBUF, issue_next=False)

    for b in range(NBUF):
        drain_writeout(b)


def kernel(x, table):
    B, H = x.shape
    BT = B * H
    xf = x.astype(jnp.int32).reshape(BT // GRP, GRP)
    gather = pl.kernel(
        _gather_body,
        out_type=jax.ShapeDtypeStruct((BT, D), jnp.float32),
        mesh=plsc.VectorSubcoreMesh(core_axis_name="c", subcore_axis_name="s"),
        compiler_params=pltpu.CompilerParams(use_tc_tiling_on_sc=False),
        scratch_types=[
            pltpu.VMEM((BT // GRP // NW, GRP), jnp.int32),
            pltpu.VMEM((CH, D), jnp.float32),
            pltpu.VMEM((CH, D), jnp.float32),
            pltpu.VMEM((CH, D), jnp.float32),
            pltpu.SemaphoreType.DMA,
            pltpu.SemaphoreType.DMA,
            pltpu.SemaphoreType.DMA,
            pltpu.SemaphoreType.DMA,
            pltpu.SemaphoreType.DMA,
            pltpu.SemaphoreType.DMA,
        ],
    )
    out = gather(xf, table)
    return out.reshape(B, H, D)

# --- scband reference (transcript-rebuilt; emitter-appended) ---
"""Pipeline reference for scband-embeddings-17394617549325 (READ-ONLY COPY).

The authoritative reference and input builder live on the scoring server;
editing this copy changes nothing except your own understanding.
"""

import jax, jax.numpy as jnp
import numpy as np

VOCAB = 1000000
EMBED_DIM = 64
BATCH = 16384
HIST = 50

def setup_inputs(seed: int = 0) -> dict:
    key = jax.random.key(seed)
    k1, k2 = jax.random.split(key)
    x = jax.random.randint(k1, (BATCH, HIST), 0, VOCAB, dtype=jnp.int64 if jax.config.jax_enable_x64 else jnp.int32)
    table = jax.random.normal(k2, (VOCAB, EMBED_DIM), dtype=jnp.float32) * 0.05
    return {"x": x, "table": table}

def reference(x, table):
    # Embeddings.call: lut(x); scale=False so no sqrt(d) scaling.
    # mask_zero=True only affects downstream masking semantics, not the
    # lookup values themselves, so the faithful forward is a plain gather.
    out = jnp.take(table, x, axis=0)
    return out

if __name__ == "__main__":
    import jax
    _d = setup_inputs()
    print(jax.jit(kernel)(*tuple(_d.values())))

</pallas_src>

<mosaic_0001>
#map = affine_map<(d0, d1) -> (0, 0)>
module attributes {stable_mosaic.version = 14 : i64} {
  func.func @_gather_body(%arg0: i32, %arg1: i32, %arg2: memref<6400x128xi32, #tpu.memory_space<hbm>>, %arg3: memref<1000000x64xf32, #tpu.memory_space<hbm>>, %arg4: memref<819200x64xf32, #tpu.memory_space<hbm>>, %arg5: memref<200x128xi32, #tpu.memory_space<vmem>>, %arg6: memref<512x64xf32, #tpu.memory_space<vmem>>, %arg7: memref<512x64xf32, #tpu.memory_space<vmem>>, %arg8: memref<512x64xf32, #tpu.memory_space<vmem>>, %arg9: memref<!tpu.dma_semaphore, #tpu.memory_space<semaphore_mem>>, %arg10: memref<!tpu.dma_semaphore, #tpu.memory_space<semaphore_mem>>, %arg11: memref<!tpu.dma_semaphore, #tpu.memory_space<semaphore_mem>>, %arg12: memref<!tpu.dma_semaphore, #tpu.memory_space<semaphore_mem>>, %arg13: memref<!tpu.dma_semaphore, #tpu.memory_space<semaphore_mem>>, %arg14: memref<!tpu.dma_semaphore, #tpu.memory_space<semaphore_mem>>) attributes {dimension_semantics = [#tpu.dimension_semantics<core_parallel>, #tpu.dimension_semantics<subcore_parallel>], iteration_bounds = array<i64: 2, 16>, scalar_prefetch = 0 : i64, scratch_operands = 10 : i64, tpu.core_type = #tpu.core_type<sc_vector_subcore>, window_params = [{transform_indices = #map}, {transform_indices = #map}, {transform_indices = #map}]} {
    %mul3A = arith.constant 2 : i32
    %mul3A_0 = arith.muli %arg1, %mul3A : i32
    %add3A = arith.addi %mul3A_0, %arg0 : i32
    %mul3A_1 = arith.constant 200 : i32
    %mul3A_2 = arith.muli %add3A, %mul3A_1 : i32
    %mul3A_3 = arith.constant 128 : i32
    %mul3A_4 = arith.muli %mul3A_2, %mul3A_3 : i32
    %mul3A_5 = arith.constant 200 : i32
    %mul3A_6 = arith.muli %add3A, %mul3A_5 : i32
    "tpu.region"() ({
      %run_scoped3A = tpu.sem_alloc : memref<!tpu.dma_semaphore, #tpu.memory_space<semaphore_mem>>
      %dma_start3A_459 = arith.constant 0 : i32
      %dma_start3A_460 = tpu.memref_slice %arg2[%mul3A_6, %dma_start3A_459] : memref<6400x128xi32, #tpu.memory_space<hbm>> -> memref<200x128xi32, #tpu.memory_space<hbm>>
      %dma_start3A_461 = arith.constant 0 : i32
      %dma_start3A_462 = tpu.memref_slice %arg2[%mul3A_6, %dma_start3A_461] : memref<6400x128xi32, #tpu.memory_space<hbm>> -> memref<200x128xi32, #tpu.memory_space<hbm>>
      tpu.enqueue_dma source(%dma_start3A_462 : memref<200x128xi32, #tpu.memory_space<hbm>>) target(%arg5 : memref<200x128xi32, #tpu.memory_space<vmem>>) target_semaphore(%run_scoped3A : memref<!tpu.dma_semaphore, #tpu.memory_space<semaphore_mem>>)
      %dma_wait3A_463 = arith.constant 0 : i32
      %dma_wait3A_464 = tpu.memref_slice %arg2[%mul3A_6, %dma_wait3A_463] : memref<6400x128xi32, #tpu.memory_space<hbm>> -> memref<200x128xi32, #tpu.memory_space<hbm>>
      %dma_wait3A_465 = arith.constant 0 : i32
      %dma_wait3A_466 = tpu.memref_slice %arg2[%mul3A_6, %dma_wait3A_465] : memref<6400x128xi32, #tpu.memory_space<hbm>> -> memref<200x128xi32, #tpu.memory_space<hbm>>
      tpu.wait_dma2 semaphore(%run_scoped3A : memref<!tpu.dma_semaphore, #tpu.memory_space<semaphore_mem>>) src(%dma_wait3A_466 : memref<200x128xi32, #tpu.memory_space<hbm>>) dst(%arg5 : memref<200x128xi32, #tpu.memory_space<vmem>>)
      tpu.yield
    }) : () -> ()
    %dma_start3A = arith.constant 0 : i32
    %dma_start3A_7 = arith.constant 0 : i32
    %dma_start3A_8 = arith.constant 0 : i32
    %dma_start3A_9 = tpu.memref_slice %arg6[%dma_start3A_7, %dma_start3A_8] : memref<512x64xf32, #tpu.memory_space<vmem>> -> memref<128x64xf32, #tpu.memory_space<vmem>>
    %dma_start3A_10 = arith.constant 0 : i32
    %dma_start3A_11 = tpu.memref_slice %arg5[%dma_start3A, %dma_start3A_10] : memref<200x128xi32, #tpu.memory_space<vmem>> -> memref<1x128xi32, #tpu.memory_space<vmem>>
    %dma_start3A_12 = tpu.memref_squeeze %dma_start3A_11 : memref<1x128xi32, #tpu.memory_space<vmem>> -> memref<128xi32, #tpu.memory_space<vmem>>
    %dma_start3A_13 = arith.constant 0 : i32
    %dma_start3A_14 = arith.constant 0 : i32
    %dma_start3A_15 = tpu.memref_slice %arg3[%dma_start3A_13, %dma_start3A_14] : memref<1000000x64xf32, #tpu.memory_space<hbm>> -> memref<1000000x64xf32, #tpu.memory_space<hbm>>
    tpu.enqueue_indirect_dma source(%dma_start3A_15 : memref<1000000x64xf32, #tpu.memory_space<hbm>>) target(%dma_start3A_9 : memref<128x64xf32, #tpu.memory_space<vmem>>) offsets(%dma_start3A_12 : memref<128xi32, #tpu.memory_space<vmem>>) semaphore(%arg9 : memref<!tpu.dma_semaphore, #tpu.memory_space<semaphore_mem>>)
    %dma_start3A_16 = arith.constant 1 : i32
    %dma_start3A_17 = arith.constant 128 : i32
    %dma_start3A_18 = arith.constant 0 : i32
    %dma_start3A_19 = tpu.memref_slice %arg6[%dma_start3A_17, %dma_start3A_18] : memref<512x64xf32, #tpu.memory_space<vmem>> -> memref<128x64xf32, #tpu.memory_space<vmem>>
    %dma_start3A_20 = arith.constant 0 : i32
    %dma_start3A_21 = tpu.memref_slice %arg5[%dma_start3A_16, %dma_start3A_20] : memref<200x128xi32, #tpu.memory_space<vmem>> -> memref<1x128xi32, #tpu.memory_space<vmem>>
    %dma_start3A_22 = tpu.memref_squeeze %dma_start3A_21 : memref<1x128xi32, #tpu.memory_space<vmem>> -> memref<128xi32, #tpu.memory_space<vmem>>
    %dma_start3A_23 = arith.constant 0 : i32
    %dma_start3A_24 = arith.constant 0 : i32
    %dma_start3A_25 = tpu.memref_slice %arg3[%dma_start3A_23, %dma_start3A_24] : memref<1000000x64xf32, #tpu.memory_space<hbm>> -> memref<1000000x64xf32, #tpu.memory_space<hbm>>
    tpu.enqueue_indirect_dma source(%dma_start3A_25 : memref<1000000x64xf32, #tpu.memory_space<hbm>>) target(%dma_start3A_19 : memref<128x64xf32, #tpu.memory_space<vmem>>) offsets(%dma_start3A_22 : memref<128xi32, #tpu.memory_space<vmem>>) semaphore(%arg9 : memref<!tpu.dma_semaphore, #tpu.memory_space<semaphore_mem>>)
    %dma_start3A_26 = arith.constant 2 : i32
    %dma_start3A_27 = arith.constant 256 : i32
    %dma_start3A_28 = arith.constant 0 : i32
    %dma_start3A_29 = tpu.memref_slice %arg6[%dma_start3A_27, %dma_start3A_28] : memref<512x64xf32, #tpu.memory_space<vmem>> -> memref<128x64xf32, #tpu.memory_space<vmem>>
    %dma_start3A_30 = arith.constant 0 : i32
    %dma_start3A_31 = tpu.memref_slice %arg5[%dma_start3A_26, %dma_start3A_30] : memref<200x128xi32, #tpu.memory_space<vmem>> -> memref<1x128xi32, #tpu.memory_space<vmem>>
    %dma_start3A_32 = tpu.memref_squeeze %dma_start3A_31 : memref<1x128xi32, #tpu.memory_space<vmem>> -> memref<128xi32, #tpu.memory_space<vmem>>
    %dma_start3A_33 = arith.constant 0 : i32
    %dma_start3A_34 = arith.constant 0 : i32
    %dma_start3A_35 = tpu.memref_slice %arg3[%dma_start3A_33, %dma_start3A_34] : memref<1000000x64xf32, #tpu.memory_space<hbm>> -> memref<1000000x64xf32, #tpu.memory_space<hbm>>
    tpu.enqueue_indirect_dma source(%dma_start3A_35 : memref<1000000x64xf32, #tpu.memory_space<hbm>>) target(%dma_start3A_29 : memref<128x64xf32, #tpu.memory_space<vmem>>) offsets(%dma_start3A_32 : memref<128xi32, #tpu.memory_space<vmem>>) semaphore(%arg9 : memref<!tpu.dma_semaphore, #tpu.memory_space<semaphore_mem>>)
    %dma_start3A_36 = arith.constant 3 : i32
    %dma_start3A_37 = arith.constant 384 : i32
    %dma_start3A_38 = arith.constant 0 : i32
    %dma_start3A_39 = tpu.memref_slice %arg6[%dma_start3A_37, %dma_start3A_38] : memref<512x64xf32, #tpu.memory_space<vmem>> -> memref<128x64xf32, #tpu.memory_space<vmem>>
    %dma_start3A_40 = arith.constant 0 : i32
    %dma_start3A_41 = tpu.memref_slice %arg5[%dma_start3A_36, %dma_start3A_40] : memref<200x128xi32, #tpu.memory_space<vmem>> -> memref<1x128xi32, #tpu.memory_space<vmem>>
    %dma_start3A_42 = tpu.memref_squeeze %dma_start3A_41 : memref<1x128xi32, #tpu.memory_space<vmem>> -> memref<128xi32, #tpu.memory_space<vmem>>
    %dma_start3A_43 = arith.constant 0 : i32
    %dma_start3A_44 = arith.constant 0 : i32
    %dma_start3A_45 = tpu.memref_slice %arg3[%dma_start3A_43, %dma_start3A_44] : memref<1000000x64xf32, #tpu.memory_space<hbm>> -> memref<1000000x64xf32, #tpu.memory_space<hbm>>
    tpu.enqueue_indirect_dma source(%dma_start3A_45 : memref<1000000x64xf32, #tpu.memory_space<hbm>>) target(%dma_start3A_39 : memref<128x64xf32, #tpu.memory_space<vmem>>) offsets(%dma_start3A_42 : memref<128xi32, #tpu.memory_space<vmem>>) semaphore(%arg9 : memref<!tpu.dma_semaphore, #tpu.memory_space<semaphore_mem>>)
    %dma_start3A_46 = arith.constant 4 : i32
    %dma_start3A_47 = arith.constant 0 : i32
    %dma_start3A_48 = arith.constant 0 : i32
    %dma_start3A_49 = tpu.memref_slice %arg7[%dma_start3A_47, %dma_start3A_48] : memref<512x64xf32, #tpu.memory_space<vmem>> -> memref<128x64xf32, #tpu.memory_space<vmem>>
    %dma_start3A_50 = arith.constant 0 : i32
    %dma_start3A_51 = tpu.memref_slice %arg5[%dma_start3A_46, %dma_start3A_50] : memref<200x128xi32, #tpu.memory_space<vmem>> -> memref<1x128xi32, #tpu.memory_space<vmem>>
    %dma_start3A_52 = tpu.memref_squeeze %dma_start3A_51 : memref<1x128xi32, #tpu.memory_space<vmem>> -> memref<128xi32, #tpu.memory_space<vmem>>
    %dma_start3A_53 = arith.constant 0 : i32
    %dma_start3A_54 = arith.constant 0 : i32
    %dma_start3A_55 = tpu.memref_slice %arg3[%dma_start3A_53, %dma_start3A_54] : memref<1000000x64xf32, #tpu.memory_space<hbm>> -> memref<1000000x64xf32, #tpu.memory_space<hbm>>
    tpu.enqueue_indirect_dma source(%dma_start3A_55 : memref<1000000x64xf32, #tpu.memory_space<hbm>>) target(%dma_start3A_49 : memref<128x64xf32, #tpu.memory_space<vmem>>) offsets(%dma_start3A_52 : memref<128xi32, #tpu.memory_space<vmem>>) semaphore(%arg10 : memref<!tpu.dma_semaphore, #tpu.memory_space<semaphore_mem>>)
    %dma_start3A_56 = arith.constant 5 : i32
    %dma_start3A_57 = arith.constant 128 : i32
    %dma_start3A_58 = arith.constant 0 : i32
    %dma_start3A_59 = tpu.memref_slice %arg7[%dma_start3A_57, %dma_start3A_58] : memref<512x64xf32, #tpu.memory_space<vmem>> -> memref<128x64xf32, #tpu.memory_space<vmem>>
    %dma_start3A_60 = arith.constant 0 : i32
    %dma_start3A_61 = tpu.memref_slice %arg5[%dma_start3A_56, %dma_start3A_60] : memref<200x128xi32, #tpu.memory_space<vmem>> -> memref<1x128xi32, #tpu.memory_space<vmem>>
    %dma_start3A_62 = tpu.memref_squeeze %dma_start3A_61 : memref<1x128xi32, #tpu.memory_space<vmem>> -> memref<128xi32, #tpu.memory_space<vmem>>
    %dma_start3A_63 = arith.constant 0 : i32
    %dma_start3A_64 = arith.constant 0 : i32
    %dma_start3A_65 = tpu.memref_slice %arg3[%dma_start3A_63, %dma_start3A_64] : memref<1000000x64xf32, #tpu.memory_space<hbm>> -> memref<1000000x64xf32, #tpu.memory_space<hbm>>
    tpu.enqueue_indirect_dma source(%dma_start3A_65 : memref<1000000x64xf32, #tpu.memory_space<hbm>>) target(%dma_start3A_59 : memref<128x64xf32, #tpu.memory_space<vmem>>) offsets(%dma_start3A_62 : memref<128xi32, #tpu.memory_space<vmem>>) semaphore(%arg10 : memref<!tpu.dma_semaphore, #tpu.memory_space<semaphore_mem>>)
    %dma_start3A_66 = arith.constant 6 : i32
    %dma_start3A_67 = arith.constant 256 : i32
    %dma_start3A_68 = arith.constant 0 : i32
    %dma_start3A_69 = tpu.memref_slice %arg7[%dma_start3A_67, %dma_start3A_68] : memref<512x64xf32, #tpu.memory_space<vmem>> -> memref<128x64xf32, #tpu.memory_space<vmem>>
    %dma_start3A_70 = arith.constant 0 : i32
    %dma_start3A_71 = tpu.memref_slice %arg5[%dma_start3A_66, %dma_start3A_70] : memref<200x128xi32, #tpu.memory_space<vmem>> -> memref<1x128xi32, #tpu.memory_space<vmem>>
    %dma_start3A_72 = tpu.memref_squeeze %dma_start3A_71 : memref<1x128xi32, #tpu.memory_space<vmem>> -> memref<128xi32, #tpu.memory_space<vmem>>
    %dma_start3A_73 = arith.constant 0 : i32
    %dma_start3A_74 = arith.constant 0 : i32
    %dma_start3A_75 = tpu.memref_slice %arg3[%dma_start3A_73, %dma_start3A_74] : memref<1000000x64xf32, #tpu.memory_space<hbm>> -> memref<1000000x64xf32, #tpu.memory_space<hbm>>
    tpu.enqueue_indirect_dma source(%dma_start3A_75 : memref<1000000x64xf32, #tpu.memory_space<hbm>>) target(%dma_start3A_69 : memref<128x64xf32, #tpu.memory_space<vmem>>) offsets(%dma_start3A_72 : memref<128xi32, #tpu.memory_space<vmem>>) semaphore(%arg10 : memref<!tpu.dma_semaphore, #tpu.memory_space<semaphore_mem>>)
    %dma_start3A_76 = arith.constant 7 : i32
    %dma_start3A_77 = arith.constant 384 : i32
    %dma_start3A_78 = arith.constant 0 : i32
    %dma_start3A_79 = tpu.memref_slice %arg7[%dma_start3A_77, %dma_start3A_78] : memref<512x64xf32, #tpu.memory_space<vmem>> -> memref<128x64xf32, #tpu.memory_space<vmem>>
    %dma_start3A_80 = arith.constant 0 : i32
    %dma_start3A_81 = tpu.memref_slice %arg5[%dma_start3A_76, %dma_start3A_80] : memref<200x128xi32, #tpu.memory_space<vmem>> -> memref<1x128xi32, #tpu.memory_space<vmem>>
    %dma_start3A_82 = tpu.memref_squeeze %dma_start3A_81 : memref<1x128xi32, #tpu.memory_space<vmem>> -> memref<128xi32, #tpu.memory_space<vmem>>
    %dma_start3A_83 = arith.constant 0 : i32
    %dma_start3A_84 = arith.constant 0 : i32
    %dma_start3A_85 = tpu.memref_slice %arg3[%dma_start3A_83, %dma_start3A_84] : memref<1000000x64xf32, #tpu.memory_space<hbm>> -> memref<1000000x64xf32, #tpu.memory_space<hbm>>
    tpu.enqueue_indirect_dma source(%dma_start3A_85 : memref<1000000x64xf32, #tpu.memory_space<hbm>>) target(%dma_start3A_79 : memref<128x64xf32, #tpu.memory_space<vmem>>) offsets(%dma_start3A_82 : memref<128xi32, #tpu.memory_space<vmem>>) semaphore(%arg10 : memref<!tpu.dma_semaphore, #tpu.memory_space<semaphore_mem>>)
    %dma_wait3A = arith.constant 0 : i32
    %dma_wait3A_86 = arith.constant 0 : i32
    %dma_wait3A_87 = arith.constant 0 : i32
    %dma_wait3A_88 = tpu.memref_slice %arg6[%dma_wait3A_86, %dma_wait3A_87] : memref<512x64xf32, #tpu.memory_space<vmem>> -> memref<128x64xf32, #tpu.memory_space<vmem>>
    %dma_wait3A_89 = arith.constant 0 : i32
    %dma_wait3A_90 = tpu.memref_slice %arg5[%dma_wait3A, %dma_wait3A_89] : memref<200x128xi32, #tpu.memory_space<vmem>> -> memref<1x128xi32, #tpu.memory_space<vmem>>
    %dma_wait3A_91 = tpu.memref_squeeze %dma_wait3A_90 : memref<1x128xi32, #tpu.memory_space<vmem>> -> memref<128xi32, #tpu.memory_space<vmem>>
    %dma_wait3A_92 = arith.constant 0 : i32
    %dma_wait3A_93 = arith.constant 0 : i32
    %dma_wait3A_94 = tpu.memref_slice %arg3[%dma_wait3A_92, %dma_wait3A_93] : memref<1000000x64xf32, #tpu.memory_space<hbm>> -> memref<1000000x64xf32, #tpu.memory_space<hbm>>
    tpu.wait_indirect_dma semaphore(%arg9 : memref<!tpu.dma_semaphore, #tpu.memory_space<semaphore_mem>>) src(%dma_wait3A_94 : memref<1000000x64xf32, #tpu.memory_space<hbm>>) dst(%dma_wait3A_88 : memref<128x64xf32, #tpu.memory_space<vmem>>)
    %dma_wait3A_95 = arith.constant 0 : i32
    %dma_wait3A_96 = arith.constant 128 : i32
    %dma_wait3A_97 = arith.constant 0 : i32
    %dma_wait3A_98 = tpu.memref_slice %arg6[%dma_wait3A_96, %dma_wait3A_97] : memref<512x64xf32, #tpu.memory_space<vmem>> -> memref<128x64xf32, #tpu.memory_space<vmem>>
    %dma_wait3A_99 = arith.constant 0 : i32
    %dma_wait3A_100 = tpu.memref_slice %arg5[%dma_wait3A_95, %dma_wait3A_99] : memref<200x128xi32, #tpu.memory_space<vmem>> -> memref<1x128xi32, #tpu.memory_space<vmem>>
    %dma_wait3A_101 = tpu.memref_squeeze %dma_wait3A_100 : memref<1x128xi32, #tpu.memory_space<vmem>> -> memref<128xi32, #tpu.memory_space<vmem>>
    %dma_wait3A_102 = arith.constant 0 : i32
    %dma_wait3A_103 = arith.constant 0 : i32
    %dma_wait3A_104 = tpu.memref_slice %arg3[%dma_wait3A_102, %dma_wait3A_103] : memref<1000000x64xf32, #tpu.memory_space<hbm>> -> memref<1000000x64xf32, #tpu.memory_space<hbm>>
    tpu.wait_indirect_dma semaphore(%arg9 : memref<!tpu.dma_semaphore, #tpu.memory_space<semaphore_mem>>) src(%dma_wait3A_104 : memref<1000000x64xf32, #tpu.memory_space<hbm>>) dst(%dma_wait3A_98 : memref<128x64xf32, #tpu.memory_space<vmem>>)
    %dma_wait3A_105 = arith.constant 0 : i32
    %dma_wait3A_106 = arith.constant 256 : i32
    %dma_wait3A_107 = arith.constant 0 : i32
    %dma_wait3A_108 = tpu.memref_slice %arg6[%dma_wait3A_106, %dma_wait3A_107] : memref<512x64xf32, #tpu.memory_space<vmem>> -> memref<128x64xf32, #tpu.memory_space<vmem>>
    %dma_wait3A_109 = arith.constant 0 : i32
    %dma_wait3A_110 = tpu.memref_slice %arg5[%dma_wait3A_105, %dma_wait3A_109] : memref<200x128xi32, #tpu.memory_space<vmem>> -> memref<1x128xi32, #tpu.memory_space<vmem>>
    %dma_wait3A_111 = tpu.memref_squeeze %dma_wait3A_110 : memref<1x128xi32, #tpu.memory_space<vmem>> -> memref<128xi32, #tpu.memory_space<vmem>>
    %dma_wait3A_112 = arith.constant 0 : i32
    %dma_wait3A_113 = arith.constant 0 : i32
    %dma_wait3A_114 = tpu.memref_slice %arg3[%dma_wait3A_112, %dma_wait3A_113] : memref<1000000x64xf32, #tpu.memory_space<hbm>> -> memref<1000000x64xf32, #tpu.memory_space<hbm>>
    tpu.wait_indirect_dma semaphore(%arg9 : memref<!tpu.dma_semaphore, #tpu.memory_space<semaphore_mem>>) src(%dma_wait3A_114 : memref<1000000x64xf32, #tpu.memory_space<hbm>>) dst(%dma_wait3A_108 : memref<128x64xf32, #tpu.memory_space<vmem>>)
    %dma_wait3A_115 = arith.constant 0 : i32
    %dma_wait3A_116 = arith.constant 384 : i32
    %dma_wait3A_117 = arith.constant 0 : i32
    %dma_wait3A_118 = tpu.memref_slice %arg6[%dma_wait3A_116, %dma_wait3A_117] : memref<512x64xf32, #tpu.memory_space<vmem>> -> memref<128x64xf32, #tpu.memory_space<vmem>>
    %dma_wait3A_119 = arith.constant 0 : i32
    %dma_wait3A_120 = tpu.memref_slice %arg5[%dma_wait3A_115, %dma_wait3A_119] : memref<200x128xi32, #tpu.memory_space<vmem>> -> memref<1x128xi32, #tpu.memory_space<vmem>>
    %dma_wait3A_121 = tpu.memref_squeeze %dma_wait3A_120 : memref<1x128xi32, #tpu.memory_space<vmem>> -> memref<128xi32, #tpu.memory_space<vmem>>
    %dma_wait3A_122 = arith.constant 0 : i32
    %dma_wait3A_123 = arith.constant 0 : i32
    %dma_wait3A_124 = tpu.memref_slice %arg3[%dma_wait3A_122, %dma_wait3A_123] : memref<1000000x64xf32, #tpu.memory_space<hbm>> -> memref<1000000x64xf32, #tpu.memory_space<hbm>>
    tpu.wait_indirect_dma semaphore(%arg9 : memref<!tpu.dma_semaphore, #tpu.memory_space<semaphore_mem>>) src(%dma_wait3A_124 : memref<1000000x64xf32, #tpu.memory_space<hbm>>) dst(%dma_wait3A_118 : memref<128x64xf32, #tpu.memory_space<vmem>>)
    %add3A_125 = arith.constant 0 : i32
    %add3A_126 = arith.addi %mul3A_4, %add3A_125 : i32
    %dma_start3A_127 = arith.constant 0 : i32
    %dma_start3A_128 = tpu.memref_slice %arg4[%add3A_126, %dma_start3A_127] : memref<819200x64xf32, #tpu.memory_space<hbm>> -> memref<512x64xf32, #tpu.memory_space<hbm>>
    %dma_start3A_129 = arith.constant 0 : i32
    %dma_start3A_130 = tpu.memref_slice %arg4[%add3A_126, %dma_start3A_129] : memref<819200x64xf32, #tpu.memory_space<hbm>> -> memref<512x64xf32, #tpu.memory_space<hbm>>
    tpu.enqueue_dma source(%arg6 : memref<512x64xf32, #tpu.memory_space<vmem>>) target(%dma_start3A_130 : memref<512x64xf32, #tpu.memory_space<hbm>>) target_semaphore(%arg12 : memref<!tpu.dma_semaphore, #tpu.memory_space<semaphore_mem>>)
    %dma_start3A_131 = arith.constant 8 : i32
    %dma_start3A_132 = arith.constant 0 : i32
    %dma_start3A_133 = arith.constant 0 : i32
    %dma_start3A_134 = tpu.memref_slice %arg8[%dma_start3A_132, %dma_start3A_133] : memref<512x64xf32, #tpu.memory_space<vmem>> -> memref<128x64xf32, #tpu.memory_space<vmem>>
    %dma_start3A_135 = arith.constant 0 : i32
    %dma_start3A_136 = tpu.memref_slice %arg5[%dma_start3A_131, %dma_start3A_135] : memref<200x128xi32, #tpu.memory_space<vmem>> -> memref<1x128xi32, #tpu.memory_space<vmem>>
    %dma_start3A_137 = tpu.memref_squeeze %dma_start3A_136 : memref<1x128xi32, #tpu.memory_space<vmem>> -> memref<128xi32, #tpu.memory_space<vmem>>
    %dma_start3A_138 = arith.constant 0 : i32
    %dma_start3A_139 = arith.constant 0 : i32
    %dma_start3A_140 = tpu.memref_slice %arg3[%dma_start3A_138, %dma_start3A_139] : memref<1000000x64xf32, #tpu.memory_space<hbm>> -> memref<1000000x64xf32, #tpu.memory_space<hbm>>
    tpu.enqueue_indirect_dma source(%dma_start3A_140 : memref<1000000x64xf32, #tpu.memory_space<hbm>>) target(%dma_start3A_134 : memref<128x64xf32, #tpu.memory_space<vmem>>) offsets(%dma_start3A_137 : memref<128xi32, #tpu.memory_space<vmem>>) semaphore(%arg11 : memref<!tpu.dma_semaphore, #tpu.memory_space<semaphore_mem>>)
    %dma_start3A_141 = arith.constant 9 : i32
    %dma_start3A_142 = arith.constant 128 : i32
    %dma_start3A_143 = arith.constant 0 : i32
    %dma_start3A_144 = tpu.memref_slice %arg8[%dma_start3A_142, %dma_start3A_143] : memref<512x64xf32, #tpu.memory_space<vmem>> -> memref<128x64xf32, #tpu.memory_space<vmem>>
    %dma_start3A_145 = arith.constant 0 : i32
    %dma_start3A_146 = tpu.memref_slice %arg5[%dma_start3A_141, %dma_start3A_145] : memref<200x128xi32, #tpu.memory_space<vmem>> -> memref<1x128xi32, #tpu.memory_space<vmem>>
    %dma_start3A_147 = tpu.memref_squeeze %dma_start3A_146 : memref<1x128xi32, #tpu.memory_space<vmem>> -> memref<128xi32, #tpu.memory_space<vmem>>
    %dma_start3A_148 = arith.constant 0 : i32
    %dma_start3A_149 = arith.constant 0 : i32
    %dma_start3A_150 = tpu.memref_slice %arg3[%dma_start3A_148, %dma_start3A_149] : memref<1000000x64xf32, #tpu.memory_space<hbm>> -> memref<1000000x64xf32, #tpu.memory_space<hbm>>
    tpu.enqueue_indirect_dma source(%dma_start3A_150 : memref<1000000x64xf32, #tpu.memory_space<hbm>>) target(%dma_start3A_144 : memref<128x64xf32, #tpu.memory_space<vmem>>) offsets(%dma_start3A_147 : memref<128xi32, #tpu.memory_space<vmem>>) semaphore(%arg11 : memref<!tpu.dma_semaphore, #tpu.memory_space<semaphore_mem>>)
    %dma_start3A_151 = arith.constant 10 : i32
    %dma_start3A_152 = arith.constant 256 : i32
    %dma_start3A_153 = arith.constant 0 : i32
    %dma_start3A_154 = tpu.memref_slice %arg8[%dma_start3A_152, %dma_start3A_153] : memref<512x64xf32, #tpu.memory_space<vmem>> -> memref<128x64xf32, #tpu.memory_space<vmem>>
    %dma_start3A_155 = arith.constant 0 : i32
    %dma_start3A_156 = tpu.memref_slice %arg5[%dma_start3A_151, %dma_start3A_155] : memref<200x128xi32, #tpu.memory_space<vmem>> -> memref<1x128xi32, #tpu.memory_space<vmem>>
    %dma_start3A_157 = tpu.memref_squeeze %dma_start3A_156 : memref<1x128xi32, #tpu.memory_space<vmem>> -> memref<128xi32, #tpu.memory_space<vmem>>
    %dma_start3A_158 = arith.constant 0 : i32
    %dma_start3A_159 = arith.constant 0 : i32
    %dma_start3A_160 = tpu.memref_slice %arg3[%dma_start3A_158, %dma_start3A_159] : memref<1000000x64xf32, #tpu.memory_space<hbm>> -> memref<1000000x64xf32, #tpu.memory_space<hbm>>
    tpu.enqueue_indirect_dma source(%dma_start3A_160 : memref<1000000x64xf32, #tpu.memory_space<hbm>>) target(%dma_start3A_154 : memref<128x64xf32, #tpu.memory_space<vmem>>) offsets(%dma_start3A_157 : memref<128xi32, #tpu.memory_space<vmem>>) semaphore(%arg11 : memref<!tpu.dma_semaphore, #tpu.memory_space<semaphore_mem>>)
    %dma_start3A_161 = arith.constant 11 : i32
    %dma_start3A_162 = arith.constant 384 : i32
    %dma_start3A_163 = arith.constant 0 : i32
    %dma_start3A_164 = tpu.memref_slice %arg8[%dma_start3A_162, %dma_start3A_163] : memref<512x64xf32, #tpu.memory_space<vmem>> -> memref<128x64xf32, #tpu.memory_space<vmem>>
    %dma_start3A_165 = arith.constant 0 : i32
    %dma_start3A_166 = tpu.memref_slice %arg5[%dma_start3A_161, %dma_start3A_165] : memref<200x128xi32, #tpu.memory_space<vmem>> -> memref<1x128xi32, #tpu.memory_space<vmem>>
    %dma_start3A_167 = tpu.memref_squeeze %dma_start3A_166 : memref<1x128xi32, #tpu.memory_space<vmem>> -> memref<128xi32, #tpu.memory_space<vmem>>
    %dma_start3A_168 = arith.constant 0 : i32
    %dma_start3A_169 = arith.constant 0 : i32
    %dma_start3A_170 = tpu.memref_slice %arg3[%dma_start3A_168, %dma_start3A_169] : memref<1000000x64xf32, #tpu.memory_space<hbm>> -> memref<1000000x64xf32, #tpu.memory_space<hbm>>
    tpu.enqueue_indirect_dma source(%dma_start3A_170 : memref<1000000x64xf32, #tpu.memory_space<hbm>>) target(%dma_start3A_164 : memref<128x64xf32, #tpu.memory_space<vmem>>) offsets(%dma_start3A_167 : memref<128xi32, #tpu.memory_space<vmem>>) semaphore(%arg11 : memref<!tpu.dma_semaphore, #tpu.memory_space<semaphore_mem>>)
    %scan3A = arith.constant 0 : i32
    %scan3A_171 = arith.constant 15 : i32
    %scan3A_172 = arith.addi %scan3A, %scan3A_171 : i32
    %scan3A_173 = arith.constant 1 : i32
    scf.for %scan3A_459 = %scan3A to %scan3A_172 step %scan3A_173  : i32 {
      %mul3A_460 = arith.constant 1 : i32
      %mul3A_461 = arith.muli %scan3A_459, %mul3A_460 : i32
      %add3A_462 = arith.constant 0 : i32
      %add3A_463 = arith.addi %add3A_462, %mul3A_461 : i32
      %mul3A_464 = arith.constant 3 : i32
      %mul3A_465 = arith.muli %add3A_463, %mul3A_464 : i32
      %add3A_466 = arith.constant 1 : i32
      %add3A_467 = arith.addi %add3A_466, %mul3A_465 : i32
      %add3A_468 = arith.constant 0 : i32
      %add3A_469 = arith.addi %add3A_467, %add3A_468 : i32
      %dma_wait3A_470 = arith.constant 0 : i32
      %dma_wait3A_471 = arith.constant 0 : i32
      %dma_wait3A_472 = arith.constant 0 : i32
      %dma_wait3A_473 = tpu.memref_slice %arg7[%dma_wait3A_471, %dma_wait3A_472] : memref<512x64xf32, #tpu.memory_space<vmem>> -> memref<128x64xf32, #tpu.memory_space<vmem>>
      %dma_wait3A_474 = arith.constant 0 : i32
      %dma_wait3A_475 = tpu.memref_slice %arg5[%dma_wait3A_470, %dma_wait3A_474] : memref<200x128xi32, #tpu.memory_space<vmem>> -> memref<1x128xi32, #tpu.memory_space<vmem>>
      %dma_wait3A_476 = tpu.memref_squeeze %dma_wait3A_475 : memref<1x128xi32, #tpu.memory_space<vmem>> -> memref<128xi32, #tpu.memory_space<vmem>>
      %dma_wait3A_477 = arith.constant 0 : i32
      %dma_wait3A_478 = arith.constant 0 : i32
      %dma_wait3A_479 = tpu.memref_slice %arg3[%dma_wait3A_477, %dma_wait3A_478] : memref<1000000x64xf32, #tpu.memory_space<hbm>> -> memref<1000000x64xf32, #tpu.memory_space<hbm>>
      tpu.wait_indirect_dma semaphore(%arg10 : memref<!tpu.dma_semaphore, #tpu.memory_space<semaphore_mem>>) src(%dma_wait3A_479 : memref<1000000x64xf32, #tpu.memory_space<hbm>>) dst(%dma_wait3A_473 : memref<128x64xf32, #tpu.memory_space<vmem>>)
      %dma_wait3A_480 = arith.constant 0 : i32
      %dma_wait3A_481 = arith.constant 128 : i32
      %dma_wait3A_482 = arith.constant 0 : i32
      %dma_wait3A_483 = tpu.memref_slice %arg7[%dma_wait3A_481, %dma_wait3A_482] : memref<512x64xf32, #tpu.memory_space<vmem>> -> memref<128x64xf32, #tpu.memory_space<vmem>>
      %dma_wait3A_484 = arith.constant 0 : i32
      %dma_wait3A_485 = tpu.memref_slice %arg5[%dma_wait3A_480, %dma_wait3A_484] : memref<200x128xi32, #tpu.memory_space<vmem>> -> memref<1x128xi32, #tpu.memory_space<vmem>>
      %dma_wait3A_486 = tpu.memref_squeeze %dma_wait3A_485 : memref<1x128xi32, #tpu.memory_space<vmem>> -> memref<128xi32, #tpu.memory_space<vmem>>
      %dma_wait3A_487 = arith.constant 0 : i32
      %dma_wait3A_488 = arith.constant 0 : i32
      %dma_wait3A_489 = tpu.memref_slice %arg3[%dma_wait3A_487, %dma_wait3A_488] : memref<1000000x64xf32, #tpu.memory_space<hbm>> -> memref<1000000x64xf32, #tpu.memory_space<hbm>>
      tpu.wait_indirect_dma semaphore(%arg10 : memref<!tpu.dma_semaphore, #tpu.memory_space<semaphore_mem>>) src(%dma_wait3A_489 : memref<1000000x64xf32, #tpu.memory_space<hbm>>) dst(%dma_wait3A_483 : memref<128x64xf32, #tpu.memory_space<vmem>>)
      %dma_wait3A_490 = arith.constant 0 : i32
      %dma_wait3A_491 = arith.constant 256 : i32
      %dma_wait3A_492 = arith.constant 0 : i32
      %dma_wait3A_493 = tpu.memref_slice %arg7[%dma_wait3A_491, %dma_wait3A_492] : memref<512x64xf32, #tpu.memory_space<vmem>> -> memref<128x64xf32, #tpu.memory_space<vmem>>
      %dma_wait3A_494 = arith.constant 0 : i32
      %dma_wait3A_495 = tpu.memref_slice %arg5[%dma_wait3A_490, %dma_wait3A_494] : memref<200x128xi32, #tpu.memory_space<vmem>> -> memref<1x128xi32, #tpu.memory_space<vmem>>
      %dma_wait3A_496 = tpu.memref_squeeze %dma_wait3A_495 : memref<1x128xi32, #tpu.memory_space<vmem>> -> memref<128xi32, #tpu.memory_space<vmem>>
      %dma_wait3A_497 = arith.constant 0 : i32
      %dma_wait3A_498 = arith.constant 0 : i32
      %dma_wait3A_499 = tpu.memref_slice %arg3[%dma_wait3A_497, %dma_wait3A_498] : memref<1000000x64xf32, #tpu.memory_space<hbm>> -> memref<1000000x64xf32, #tpu.memory_space<hbm>>
      tpu.wait_indirect_dma semaphore(%arg10 : memref<!tpu.dma_semaphore, #tpu.memory_space<semaphore_mem>>) src(%dma_wait3A_499 : memref<1000000x64xf32, #tpu.memory_space<hbm>>) dst(%dma_wait3A_493 : memref<128x64xf32, #tpu.memory_space<vmem>>)
      %dma_wait3A_500 = arith.constant 0 : i32
      %dma_wait3A_501 = arith.constant 384 : i32
      %dma_wait3A_502 = arith.constant 0 : i32
      %dma_wait3A_503 = tpu.memref_slice %arg7[%dma_wait3A_501, %dma_wait3A_502] : memref<512x64xf32, #tpu.memory_space<vmem>> -> memref<128x64xf32, #tpu.memory_space<vmem>>
      %dma_wait3A_504 = arith.constant 0 : i32
      %dma_wait3A_505 = tpu.memref_slice %arg5[%dma_wait3A_500, %dma_wait3A_504] : memref<200x128xi32, #tpu.memory_space<vmem>> -> memref<1x128xi32, #tpu.memory_space<vmem>>
      %dma_wait3A_506 = tpu.memref_squeeze %dma_wait3A_505 : memref<1x128xi32, #tpu.memory_space<vmem>> -> memref<128xi32, #tpu.memory_space<vmem>>
      %dma_wait3A_507 = arith.constant 0 : i32
      %dma_wait3A_508 = arith.constant 0 : i32
      %dma_wait3A_509 = tpu.memref_slice %arg3[%dma_wait3A_507, %dma_wait3A_508] : memref<1000000x64xf32, #tpu.memory_space<hbm>> -> memref<1000000x64xf32, #tpu.memory_space<hbm>>
      tpu.wait_indirect_dma semaphore(%arg10 : memref<!tpu.dma_semaphore, #tpu.memory_space<semaphore_mem>>) src(%dma_wait3A_509 : memref<1000000x64xf32, #tpu.memory_space<hbm>>) dst(%dma_wait3A_503 : memref<128x64xf32, #tpu.memory_space<vmem>>)
      %mul3A_510 = arith.constant 512 : i32
      %mul3A_511 = arith.muli %add3A_469, %mul3A_510 : i32
      %add3A_512 = arith.addi %mul3A_4, %mul3A_511 : i32
      %dma_start3A_513 = arith.constant 0 : i32
      %dma_start3A_514 = tpu.memref_slice %arg4[%add3A_512, %dma_start3A_513] : memref<819200x64xf32, #tpu.memory_space<hbm>> -> memref<512x64xf32, #tpu.memory_space<hbm>>
      %dma_start3A_515 = arith.constant 0 : i32
      %dma_start3A_516 = tpu.memref_slice %arg4[%add3A_512, %dma_start3A_515] : memref<819200x64xf32, #tpu.memory_space<hbm>> -> memref<512x64xf32, #tpu.memory_space<hbm>>
      tpu.enqueue_dma source(%arg7 : memref<512x64xf32, #tpu.memory_space<vmem>>) target(%dma_start3A_516 : memref<512x64xf32, #tpu.memory_space<hbm>>) target_semaphore(%arg13 : memref<!tpu.dma_semaphore, #tpu.memory_space<semaphore_mem>>)
      %dma_wait3A_517 = arith.constant 0 : i32
      %dma_wait3A_518 = tpu.memref_slice %arg4[%mul3A_4, %dma_wait3A_517] : memref<819200x64xf32, #tpu.memory_space<hbm>> -> memref<512x64xf32, #tpu.memory_space<hbm>>
      %dma_wait3A_519 = arith.constant 0 : i32
      %dma_wait3A_520 = tpu.memref_slice %arg4[%mul3A_4, %dma_wait3A_519] : memref<819200x64xf32, #tpu.memory_space<hbm>> -> memref<512x64xf32, #tpu.memory_space<hbm>>
      tpu.wait_dma2 semaphore(%arg12 : memref<!tpu.dma_semaphore, #tpu.memory_space<semaphore_mem>>) src(%arg6 : memref<512x64xf32, #tpu.memory_space<vmem>>) dst(%dma_wait3A_520 : memref<512x64xf32, #tpu.memory_space<hbm>>)
      %add3A_521 = arith.constant 2 : i32
      %add3A_522 = arith.addi %add3A_469, %add3A_521 : i32
      %mul3A_523 = arith.constant 4 : i32
      %mul3A_524 = arith.muli %add3A_522, %mul3A_523 : i32
      %add3A_525 = arith.constant 0 : i32
      %add3A_526 = arith.addi %mul3A_524, %add3A_525 : i32
      %dma_start3A_527 = arith.constant 0 : i32
      %dma_start3A_528 = arith.constant 0 : i32
      %dma_start3A_529 = tpu.memref_slice %arg6[%dma_start3A_527, %dma_start3A_528] : memref<512x64xf32, #tpu.memory_space<vmem>> -> memref<128x64xf32, #tpu.memory_space<vmem>>
      %dma_start3A_530 = arith.constant 0 : i32
      %dma_start3A_531 = tpu.memref_slice %arg5[%add3A_526, %dma_start3A_530] : memref<200x128xi32, #tpu.memory_space<vmem>> -> memref<1x128xi32, #tpu.memory_space<vmem>>
      %dma_start3A_532 = tpu.memref_squeeze %dma_start3A_531 : memref<1x128xi32, #tpu.memory_space<vmem>> -> memref<128xi32, #tpu.memory_space<vmem>>
      %dma_start3A_533 = arith.constant 0 : i32
      %dma_start3A_534 = arith.constant 0 : i32
      %dma_start3A_535 = tpu.memref_slice %arg3[%dma_start3A_533, %dma_start3A_534] : memref<1000000x64xf32, #tpu.memory_space<hbm>> -> memref<1000000x64xf32, #tpu.memory_space<hbm>>
      tpu.enqueue_indirect_dma source(%dma_start3A_535 : memref<1000000x64xf32, #tpu.memory_space<hbm>>) target(%dma_start3A_529 : memref<128x64xf32, #tpu.memory_space<vmem>>) offsets(%dma_start3A_532 : memref<128xi32, #tpu.memory_space<vmem>>) semaphore(%arg9 : memref<!tpu.dma_semaphore, #tpu.memory_space<semaphore_mem>>)
      %mul3A_536 = arith.constant 4 : i32
      %mul3A_537 = arith.muli %add3A_522, %mul3A_536 : i32
      %add3A_538 = arith.constant 1 : i32
      %add3A_539 = arith.addi %mul3A_537, %add3A_538 : i32
      %dma_start3A_540 = arith.constant 128 : i32
      %dma_start3A_541 = arith.constant 0 : i32
      %dma_start3A_542 = tpu.memref_slice %arg6[%dma_start3A_540, %dma_start3A_541] : memref<512x64xf32, #tpu.memory_space<vmem>> -> memref<128x64xf32, #tpu.memory_space<vmem>>
      %dma_start3A_543 = arith.constant 0 : i32
      %dma_start3A_544 = tpu.memref_slice %arg5[%add3A_539, %dma_start3A_543] : memref<200x128xi32, #tpu.memory_space<vmem>> -> memref<1x128xi32, #tpu.memory_space<vmem>>
      %dma_start3A_545 = tpu.memref_squeeze %dma_start3A_544 : memref<1x128xi32, #tpu.memory_space<vmem>> -> memref<128xi32, #tpu.memory_space<vmem>>
      %dma_start3A_546 = arith.constant 0 : i32
      %dma_start3A_547 = arith.constant 0 : i32
      %dma_start3A_548 = tpu.memref_slice %arg3[%dma_start3A_546, %dma_start3A_547] : memref<1000000x64xf32, #tpu.memory_space<hbm>> -> memref<1000000x64xf32, #tpu.memory_space<hbm>>
      tpu.enqueue_indirect_dma source(%dma_start3A_548 : memref<1000000x64xf32, #tpu.memory_space<hbm>>) target(%dma_start3A_542 : memref<128x64xf32, #tpu.memory_space<vmem>>) offsets(%dma_start3A_545 : memref<128xi32, #tpu.memory_space<vmem>>) semaphore(%arg9 : memref<!tpu.dma_semaphore, #tpu.memory_space<semaphore_mem>>)
      %mul3A_549 = arith.constant 4 : i32
      %mul3A_550 = arith.muli %add3A_522, %mul3A_549 : i32
      %add3A_551 = arith.constant 2 : i32
      %add3A_552 = arith.addi %mul3A_550, %add3A_551 : i32
      %dma_start3A_553 = arith.constant 256 : i32
      %dma_start3A_554 = arith.constant 0 : i32
      %dma_start3A_555 = tpu.memref_slice %arg6[%dma_start3A_553, %dma_start3A_554] : memref<512x64xf32, #tpu.memory_space<vmem>> -> memref<128x64xf32, #tpu.memory_space<vmem>>
      %dma_start3A_556 = arith.constant 0 : i32
      %dma_start3A_557 = tpu.memref_slice %arg5[%add3A_552, %dma_start3A_556] : memref<200x128xi32, #tpu.memory_space<vmem>> -> memref<1x128xi32, #tpu.memory_space<vmem>>
      %dma_start3A_558 = tpu.memref_squeeze %dma_start3A_557 : memref<1x128xi32, #tpu.memory_space<vmem>> -> memref<128xi32, #tpu.memory_space<vmem>>
      %dma_start3A_559 = arith.constant 0 : i32
      %dma_start3A_560 = arith.constant 0 : i32
      %dma_start3A_561 = tpu.memref_slice %arg3[%dma_start3A_559, %dma_start3A_560] : memref<1000000x64xf32, #tpu.memory_space<hbm>> -> memref<1000000x64xf32, #tpu.memory_space<hbm>>
      tpu.enqueue_indirect_dma source(%dma_start3A_561 : memref<1000000x64xf32, #tpu.memory_space<hbm>>) target(%dma_start3A_555 : memref<128x64xf32, #tpu.memory_space<vmem>>) offsets(%dma_start3A_558 : memref<128xi32, #tpu.memory_space<vmem>>) semaphore(%arg9 : memref<!tpu.dma_semaphore, #tpu.memory_space<semaphore_mem>>)
      %mul3A_562 = arith.constant 4 : i32
      %mul3A_563 = arith.muli %add3A_522, %mul3A_562 : i32
      %add3A_564 = arith.constant 3 : i32
      %add3A_565 = arith.addi %mul3A_563, %add3A_564 : i32
      %dma_start3A_566 = arith.constant 384 : i32
      %dma_start3A_567 = arith.constant 0 : i32
      %dma_start3A_568 = tpu.memref_slice %arg6[%dma_start3A_566, %dma_start3A_567] : memref<512x64xf32, #tpu.memory_space<vmem>> -> memref<128x64xf32, #tpu.memory_space<vmem>>
      %dma_start3A_569 = arith.constant 0 : i32
      %dma_start3A_570 = tpu.memref_slice %arg5[%add3A_565, %dma_start3A_569] : memref<200x128xi32, #tpu.memory_space<vmem>> -> memref<1x128xi32, #tpu.memory_space<vmem>>
      %dma_start3A_571 = tpu.memref_squeeze %dma_start3A_570 : memref<1x128xi32, #tpu.memory_space<vmem>> -> memref<128xi32, #tpu.memory_space<vmem>>
      %dma_start3A_572 = arith.constant 0 : i32
      %dma_start3A_573 = arith.constant 0 : i32
      %dma_start3A_574 = tpu.memref_slice %arg3[%dma_start3A_572, %dma_start3A_573] : memref<1000000x64xf32, #tpu.memory_space<hbm>> -> memref<1000000x64xf32, #tpu.memory_space<hbm>>
      tpu.enqueue_indirect_dma source(%dma_start3A_574 : memref<1000000x64xf32, #tpu.memory_space<hbm>>) target(%dma_start3A_568 : memref<128x64xf32, #tpu.memory_space<vmem>>) offsets(%dma_start3A_571 : memref<128xi32, #tpu.memory_space<vmem>>) semaphore(%arg9 : memref<!tpu.dma_semaphore, #tpu.memory_space<semaphore_mem>>)
      %mul3A_575 = arith.constant 3 : i32
      %mul3A_576 = arith.muli %add3A_463, %mul3A_575 : i32
      %add3A_577 = arith.constant 1 : i32
      %add3A_578 = arith.addi %add3A_577, %mul3A_576 : i32
      %add3A_579 = arith.constant 1 : i32
      %add3A_580 = arith.addi %add3A_578, %add3A_579 : i32
      %dma_wait3A_581 = arith.constant 0 : i32
      %dma_wait3A_582 = arith.constant 0 : i32
      %dma_wait3A_583 = arith.constant 0 : i32
      %dma_wait3A_584 = tpu.memref_slice %arg8[%dma_wait3A_582, %dma_wait3A_583] : memref<512x64xf32, #tpu.memory_space<vmem>> -> memref<128x64xf32, #tpu.memory_space<vmem>>
      %dma_wait3A_585 = arith.constant 0 : i32
      %dma_wait3A_586 = tpu.memref_slice %arg5[%dma_wait3A_581, %dma_wait3A_585] : memref<200x128xi32, #tpu.memory_space<vmem>> -> memref<1x128xi32, #tpu.memory_space<vmem>>
      %dma_wait3A_587 = tpu.memref_squeeze %dma_wait3A_586 : memref<1x128xi32, #tpu.memory_space<vmem>> -> memref<128xi32, #tpu.memory_space<vmem>>
      %dma_wait3A_588 = arith.constant 0 : i32
      %dma_wait3A_589 = arith.constant 0 : i32
      %dma_wait3A_590 = tpu.memref_slice %arg3[%dma_wait3A_588, %dma_wait3A_589] : memref<1000000x64xf32, #tpu.memory_space<hbm>> -> memref<1000000x64xf32, #tpu.memory_space<hbm>>
      tpu.wait_indirect_dma semaphore(%arg11 : memref<!tpu.dma_semaphore, #tpu.memory_space<semaphore_mem>>) src(%dma_wait3A_590 : memref<1000000x64xf32, #tpu.memory_space<hbm>>) dst(%dma_wait3A_584 : memref<128x64xf32, #tpu.memory_space<vmem>>)
      %dma_wait3A_591 = arith.constant 0 : i32
      %dma_wait3A_592 = arith.constant 128 : i32
      %dma_wait3A_593 = arith.constant 0 : i32
      %dma_wait3A_594 = tpu.memref_slice %arg8[%dma_wait3A_592, %dma_wait3A_593] : memref<512x64xf32, #tpu.memory_space<vmem>> -> memref<128x64xf32, #tpu.memory_space<vmem>>
      %dma_wait3A_595 = arith.constant 0 : i32
      %dma_wait3A_596 = tpu.memref_slice %arg5[%dma_wait3A_591, %dma_wait3A_595] : memref<200x128xi32, #tpu.memory_space<vmem>> -> memref<1x128xi32, #tpu.memory_space<vmem>>
      %dma_wait3A_597 = tpu.memref_squeeze %dma_wait3A_596 : memref<1x128xi32, #tpu.memory_space<vmem>> -> memref<128xi32, #tpu.memory_space<vmem>>
      %dma_wait3A_598 = arith.constant 0 : i32
      %dma_wait3A_599 = arith.constant 0 : i32
      %dma_wait3A_600 = tpu.memref_slice %arg3[%dma_wait3A_598, %dma_wait3A_599] : memref<1000000x64xf32, #tpu.memory_space<hbm>> -> memref<1000000x64xf32, #tpu.memory_space<hbm>>
      tpu.wait_indirect_dma semaphore(%arg11 : memref<!tpu.dma_semaphore, #tpu.memory_space<semaphore_mem>>) src(%dma_wait3A_600 : memref<1000000x64xf32, #tpu.memory_space<hbm>>) dst(%dma_wait3A_594 : memref<128x64xf32, #tpu.memory_space<vmem>>)
      %dma_wait3A_601 = arith.constant 0 : i32
      %dma_wait3A_602 = arith.constant 256 : i32
      %dma_wait3A_603 = arith.constant 0 : i32
      %dma_wait3A_604 = tpu.memref_slice %arg8[%dma_wait3A_602, %dma_wait3A_603] : memref<512x64xf32, #tpu.memory_space<vmem>> -> memref<128x64xf32, #tpu.memory_space<vmem>>
      %dma_wait3A_605 = arith.constant 0 : i32
      %dma_wait3A_606 = tpu.memref_slice %arg5[%dma_wait3A_601, %dma_wait3A_605] : memref<200x128xi32, #tpu.memory_space<vmem>> -> memref<1x128xi32, #tpu.memory_space<vmem>>
      %dma_wait3A_607 = tpu.memref_squeeze %dma_wait3A_606 : memref<1x128xi32, #tpu.memory_space<vmem>> -> memref<128xi32, #tpu.memory_space<vmem>>
      %dma_wait3A_608 = arith.constant 0 : i32
      %dma_wait3A_609 = arith.constant 0 : i32
      %dma_wait3A_610 = tpu.memref_slice %arg3[%dma_wait3A_608, %dma_wait3A_609] : memref<1000000x64xf32, #tpu.memory_space<hbm>> -> memref<1000000x64xf32, #tpu.memory_space<hbm>>
      tpu.wait_indirect_dma semaphore(%arg11 : memref<!tpu.dma_semaphore, #tpu.memory_space<semaphore_mem>>) src(%dma_wait3A_610 : memref<1000000x64xf32, #tpu.memory_space<hbm>>) dst(%dma_wait3A_604 : memref<128x64xf32, #tpu.memory_space<vmem>>)
      %dma_wait3A_611 = arith.constant 0 : i32
      %dma_wait3A_612 = arith.constant 384 : i32
      %dma_wait3A_613 = arith.constant 0 : i32
      %dma_wait3A_614 = tpu.memref_slice %arg8[%dma_wait3A_612, %dma_wait3A_613] : memref<512x64xf32, #tpu.memory_space<vmem>> -> memref<128x64xf32, #tpu.memory_space<vmem>>
      %dma_wait3A_615 = arith.constant 0 : i32
      %dma_wait3A_616 = tpu.memref_slice %arg5[%dma_wait3A_611, %dma_wait3A_615] : memref<200x128xi32, #tpu.memory_space<vmem>> -> memref<1x128xi32, #tpu.memory_space<vmem>>
      %dma_wait3A_617 = tpu.memref_squeeze %dma_wait3A_616 : memref<1x128xi32, #tpu.memory_space<vmem>> -> memref<128xi32, #tpu.memory_space<vmem>>
      %dma_wait3A_618 = arith.constant 0 : i32
      %dma_wait3A_619 = arith.constant 0 : i32
      %dma_wait3A_620 = tpu.memref_slice %arg3[%dma_wait3A_618, %dma_wait3A_619] : memref<1000000x64xf32, #tpu.memory_space<hbm>> -> memref<1000000x64xf32, #tpu.memory_space<hbm>>
      tpu.wait_indirect_dma semaphore(%arg11 : memref<!tpu.dma_semaphore, #tpu.memory_space<semaphore_mem>>) src(%dma_wait3A_620 : memref<1000000x64xf32, #tpu.memory_space<hbm>>) dst(%dma_wait3A_614 : memref<128x64xf32, #tpu.memory_space<vmem>>)
      %mul3A_621 = arith.constant 512 : i32
      %mul3A_622 = arith.muli %add3A_580, %mul3A_621 : i32
      %add3A_623 = arith.addi %mul3A_4, %mul3A_622 : i32
      %dma_start3A_624 = arith.constant 0 : i32
      %dma_start3A_625 = tpu.memref_slice %arg4[%add3A_623, %dma_start3A_624] : memref<819200x64xf32, #tpu.memory_space<hbm>> -> memref<512x64xf32, #tpu.memory_space<hbm>>
      %dma_start3A_626 = arith.constant 0 : i32
      %dma_start3A_627 = tpu.memref_slice %arg4[%add3A_623, %dma_start3A_626] : memref<819200x64xf32, #tpu.memory_space<hbm>> -> memref<512x64xf32, #tpu.memory_space<hbm>>
      tpu.enqueue_dma source(%arg8 : memref<512x64xf32, #tpu.memory_space<vmem>>) target(%dma_start3A_627 : memref<512x64xf32, #tpu.memory_space<hbm>>) target_semaphore(%arg14 : memref<!tpu.dma_semaphore, #tpu.memory_space<semaphore_mem>>)
      %dma_wait3A_628 = arith.constant 0 : i32
      %dma_wait3A_629 = tpu.memref_slice %arg4[%mul3A_4, %dma_wait3A_628] : memref<819200x64xf32, #tpu.memory_space<hbm>> -> memref<512x64xf32, #tpu.memory_space<hbm>>
      %dma_wait3A_630 = arith.constant 0 : i32
      %dma_wait3A_631 = tpu.memref_slice %arg4[%mul3A_4, %dma_wait3A_630] : memref<819200x64xf32, #tpu.memory_space<hbm>> -> memref<512x64xf32, #tpu.memory_space<hbm>>
      tpu.wait_dma2 semaphore(%arg13 : memref<!tpu.dma_semaphore, #tpu.memory_space<semaphore_mem>>) src(%arg7 : memref<512x64xf32, #tpu.memory_space<vmem>>) dst(%dma_wait3A_631 : memref<512x64xf32, #tpu.memory_space<hbm>>)
      %add3A_632 = arith.constant 2 : i32
      %add3A_633 = arith.addi %add3A_580, %add3A_632 : i32
      %mul3A_634 = arith.constant 4 : i32
      %mul3A_635 = arith.muli %add3A_633, %mul3A_634 : i32
      %add3A_636 = arith.constant 0 : i32
      %add3A_637 = arith.addi %mul3A_635, %add3A_636 : i32
      %dma_start3A_638 = arith.constant 0 : i32
      %dma_start3A_639 = arith.constant 0 : i32
      %dma_start3A_640 = tpu.memref_slice %arg7[%dma_start3A_638, %dma_start3A_639] : memref<512x64xf32, #tpu.memory_space<vmem>> -> memref<128x64xf32, #tpu.memory_space<vmem>>
      %dma_start3A_641 = arith.constant 0 : i32
      %dma_start3A_642 = tpu.memref_slice %arg5[%add3A_637, %dma_start3A_641] : memref<200x128xi32, #tpu.memory_space<vmem>> -> memref<1x128xi32, #tpu.memory_space<vmem>>
      %dma_start3A_643 = tpu.memref_squeeze %dma_start3A_642 : memref<1x128xi32, #tpu.memory_space<vmem>> -> memref<128xi32, #tpu.memory_space<vmem>>
      %dma_start3A_644 = arith.constant 0 : i32
      %dma_start3A_645 = arith.constant 0 : i32
      %dma_start3A_646 = tpu.memref_slice %arg3[%dma_start3A_644, %dma_start3A_645] : memref<1000000x64xf32, #tpu.memory_space<hbm>> -> memref<1000000x64xf32, #tpu.memory_space<hbm>>
      tpu.enqueue_indirect_dma source(%dma_start3A_646 : memref<1000000x64xf32, #tpu.memory_space<hbm>>) target(%dma_start3A_640 : memref<128x64xf32, #tpu.memory_space<vmem>>) offsets(%dma_start3A_643 : memref<128xi32, #tpu.memory_space<vmem>>) semaphore(%arg10 : memref<!tpu.dma_semaphore, #tpu.memory_space<semaphore_mem>>)
      %mul3A_647 = arith.constant 4 : i32
      %mul3A_648 = arith.muli %add3A_633, %mul3A_647 : i32
      %add3A_649 = arith.constant 1 : i32
      %add3A_650 = arith.addi %mul3A_648, %add3A_649 : i32
      %dma_start3A_651 = arith.constant 128 : i32
      %dma_start3A_652 = arith.constant 0 : i32
      %dma_start3A_653 = tpu.memref_slice %arg7[%dma_start3A_651, %dma_start3A_652] : memref<512x64xf32, #tpu.memory_space<vmem>> -> memref<128x64xf32, #tpu.memory_space<vmem>>
      %dma_start3A_654 = arith.constant 0 : i32
      %dma_start3A_655 = tpu.memref_slice %arg5[%add3A_650, %dma_start3A_654] : memref<200x128xi32, #tpu.memory_space<vmem>> -> memref<1x128xi32, #tpu.memory_space<vmem>>
      %dma_start3A_656 = tpu.memref_squeeze %dma_start3A_655 : memref<1x128xi32, #tpu.memory_space<vmem>> -> memref<128xi32, #tpu.memory_space<vmem>>
      %dma_start3A_657 = arith.constant 0 : i32
      %dma_start3A_658 = arith.constant 0 : i32
      %dma_start3A_659 = tpu.memref_slice %arg3[%dma_start3A_657, %dma_start3A_658] : memref<1000000x64xf32, #tpu.memory_space<hbm>> -> memref<1000000x64xf32, #tpu.memory_space<hbm>>
      tpu.enqueue_indirect_dma source(%dma_start3A_659 : memref<1000000x64xf32, #tpu.memory_space<hbm>>) target(%dma_start3A_653 : memref<128x64xf32, #tpu.memory_space<vmem>>) offsets(%dma_start3A_656 : memref<128xi32, #tpu.memory_space<vmem>>) semaphore(%arg10 : memref<!tpu.dma_semaphore, #tpu.memory_space<semaphore_mem>>)
      %mul3A_660 = arith.constant 4 : i32
      %mul3A_661 = arith.muli %add3A_633, %mul3A_660 : i32
      %add3A_662 = arith.constant 2 : i32
      %add3A_663 = arith.addi %mul3A_661, %add3A_662 : i32
      %dma_start3A_664 = arith.constant 256 : i32
      %dma_start3A_665 = arith.constant 0 : i32
      %dma_start3A_666 = tpu.memref_slice %arg7[%dma_start3A_664, %dma_start3A_665] : memref<512x64xf32, #tpu.memory_space<vmem>> -> memref<128x64xf32, #tpu.memory_space<vmem>>
      %dma_start3A_667 = arith.constant 0 : i32
      %dma_start3A_668 = tpu.memref_slice %arg5[%add3A_663, %dma_start3A_667] : memref<200x128xi32, #tpu.memory_space<vmem>> -> memref<1x128xi32, #tpu.memory_space<vmem>>
      %dma_start3A_669 = tpu.memref_squeeze %dma_start3A_668 : memref<1x128xi32, #tpu.memory_space<vmem>> -> memref<128xi32, #tpu.memory_space<vmem>>
      %dma_start3A_670 = arith.constant 0 : i32
      %dma_start3A_671 = arith.constant 0 : i32
      %dma_start3A_672 = tpu.memref_slice %arg3[%dma_start3A_670, %dma_start3A_671] : memref<1000000x64xf32, #tpu.memory_space<hbm>> -> memref<1000000x64xf32, #tpu.memory_space<hbm>>
      tpu.enqueue_indirect_dma source(%dma_start3A_672 : memref<1000000x64xf32, #tpu.memory_space<hbm>>) target(%dma_start3A_666 : memref<128x64xf32, #tpu.memory_space<vmem>>) offsets(%dma_start3A_669 : memref<128xi32, #tpu.memory_space<vmem>>) semaphore(%arg10 : memref<!tpu.dma_semaphore, #tpu.memory_space<semaphore_mem>>)
      %mul3A_673 = arith.constant 4 : i32
      %mul3A_674 = arith.muli %add3A_633, %mul3A_673 : i32
      %add3A_675 = arith.constant 3 : i32
      %add3A_676 = arith.addi %mul3A_674, %add3A_675 : i32
      %dma_start3A_677 = arith.constant 384 : i32
      %dma_start3A_678 = arith.constant 0 : i32
      %dma_start3A_679 = tpu.memref_slice %arg7[%dma_start3A_677, %dma_start3A_678] : memref<512x64xf32, #tpu.memory_space<vmem>> -> memref<128x64xf32, #tpu.memory_space<vmem>>
      %dma_start3A_680 = arith.constant 0 : i32
      %dma_start3A_681 = tpu.memref_slice %arg5[%add3A_676, %dma_start3A_680] : memref<200x128xi32, #tpu.memory_space<vmem>> -> memref<1x128xi32, #tpu.memory_space<vmem>>
      %dma_start3A_682 = tpu.memref_squeeze %dma_start3A_681 : memref<1x128xi32, #tpu.memory_space<vmem>> -> memref<128xi32, #tpu.memory_space<vmem>>
      %dma_start3A_683 = arith.constant 0 : i32
      %dma_start3A_684 = arith.constant 0 : i32
      %dma_start3A_685 = tpu.memref_slice %arg3[%dma_start3A_683, %dma_start3A_684] : memref<1000000x64xf32, #tpu.memory_space<hbm>> -> memref<1000000x64xf32, #tpu.memory_space<hbm>>
      tpu.enqueue_indirect_dma source(%dma_start3A_685 : memref<1000000x64xf32, #tpu.memory_space<hbm>>) target(%dma_start3A_679 : memref<128x64xf32, #tpu.memory_space<vmem>>) offsets(%dma_start3A_682 : memref<128xi32, #tpu.memory_space<vmem>>) semaphore(%arg10 : memref<!tpu.dma_semaphore, #tpu.memory_space<semaphore_mem>>)
      %mul3A_686 = arith.constant 3 : i32
      %mul3A_687 = arith.muli %add3A_463, %mul3A_686 : i32
      %add3A_688 = arith.constant 1 : i32
      %add3A_689 = arith.addi %add3A_688, %mul3A_687 : i32
      %add3A_690 = arith.constant 2 : i32
      %add3A_691 = arith.addi %add3A_689, %add3A_690 : i32
      %dma_wait3A_692 = arith.constant 0 : i32
      %dma_wait3A_693 = arith.constant 0 : i32
      %dma_wait3A_694 = arith.constant 0 : i32
      %dma_wait3A_695 = tpu.memref_slice %arg6[%dma_wait3A_693, %dma_wait3A_694] : memref<512x64xf32, #tpu.memory_space<vmem>> -> memref<128x64xf32, #tpu.memory_space<vmem>>
      %dma_wait3A_696 = arith.constant 0 : i32
      %dma_wait3A_697 = tpu.memref_slice %arg5[%dma_wait3A_692, %dma_wait3A_696] : memref<200x128xi32, #tpu.memory_space<vmem>> -> memref<1x128xi32, #tpu.memory_space<vmem>>
      %dma_wait3A_698 = tpu.memref_squeeze %dma_wait3A_697 : memref<1x128xi32, #tpu.memory_space<vmem>> -> memref<128xi32, #tpu.memory_space<vmem>>
      %dma_wait3A_699 = arith.constant 0 : i32
      %dma_wait3A_700 = arith.constant 0 : i32
      %dma_wait3A_701 = tpu.memref_slice %arg3[%dma_wait3A_699, %dma_wait3A_700] : memref<1000000x64xf32, #tpu.memory_space<hbm>> -> memref<1000000x64xf32, #tpu.memory_space<hbm>>
      tpu.wait_indirect_dma semaphore(%arg9 : memref<!tpu.dma_semaphore, #tpu.memory_space<semaphore_mem>>) src(%dma_wait3A_701 : memref<1000000x64xf32, #tpu.memory_space<hbm>>) dst(%dma_wait3A_695 : memref<128x64xf32, #tpu.memory_space<vmem>>)
      %dma_wait3A_702 = arith.constant 0 : i32
      %dma_wait3A_703 = arith.constant 128 : i32
      %dma_wait3A_704 = arith.constant 0 : i32
      %dma_wait3A_705 = tpu.memref_slice %arg6[%dma_wait3A_703, %dma_wait3A_704] : memref<512x64xf32, #tpu.memory_space<vmem>> -> memref<128x64xf32, #tpu.memory_space<vmem>>
      %dma_wait3A_706 = arith.constant 0 : i32
      %dma_wait3A_707 = tpu.memref_slice %arg5[%dma_wait3A_702, %dma_wait3A_706] : memref<200x128xi32, #tpu.memory_space<vmem>> -> memref<1x128xi32, #tpu.memory_space<vmem>>
      %dma_wait3A_708 = tpu.memref_squeeze %dma_wait3A_707 : memref<1x128xi32, #tpu.memory_space<vmem>> -> memref<128xi32, #tpu.memory_space<vmem>>
      %dma_wait3A_709 = arith.constant 0 : i32
      %dma_wait3A_710 = arith.constant 0 : i32
      %dma_wait3A_711 = tpu.memref_slice %arg3[%dma_wait3A_709, %dma_wait3A_710] : memref<1000000x64xf32, #tpu.memory_space<hbm>> -> memref<1000000x64xf32, #tpu.memory_space<hbm>>
      tpu.wait_indirect_dma semaphore(%arg9 : memref<!tpu.dma_semaphore, #tpu.memory_space<semaphore_mem>>) src(%dma_wait3A_711 : memref<1000000x64xf32, #tpu.memory_space<hbm>>) dst(%dma_wait3A_705 : memref<128x64xf32, #tpu.memory_space<vmem>>)
      %dma_wait3A_712 = arith.constant 0 : i32
      %dma_wait3A_713 = arith.constant 256 : i32
      %dma_wait3A_714 = arith.constant 0 : i32
      %dma_wait3A_715 = tpu.memref_slice %arg6[%dma_wait3A_713, %dma_wait3A_714] : memref<512x64xf32, #tpu.memory_space<vmem>> -> memref<128x64xf32, #tpu.memory_space<vmem>>
      %dma_wait3A_716 = arith.constant 0 : i32
      %dma_wait3A_717 = tpu.memref_slice %arg5[%dma_wait3A_712, %dma_wait3A_716] : memref<200x128xi32, #tpu.memory_space<vmem>> -> memref<1x128xi32, #tpu.memory_space<vmem>>
      %dma_wait3A_718 = tpu.memref_squeeze %dma_wait3A_717 : memref<1x128xi32, #tpu.memory_space<vmem>> -> memref<128xi32, #tpu.memory_space<vmem>>
      %dma_wait3A_719 = arith.constant 0 : i32
      %dma_wait3A_720 = arith.constant 0 : i32
      %dma_wait3A_721 = tpu.memref_slice %arg3[%dma_wait3A_719, %dma_wait3A_720] : memref<1000000x64xf32, #tpu.memory_space<hbm>> -> memref<1000000x64xf32, #tpu.memory_space<hbm>>
      tpu.wait_indirect_dma semaphore(%arg9 : memref<!tpu.dma_semaphore, #tpu.memory_space<semaphore_mem>>) src(%dma_wait3A_721 : memref<1000000x64xf32, #tpu.memory_space<hbm>>) dst(%dma_wait3A_715 : memref<128x64xf32, #tpu.memory_space<vmem>>)
      %dma_wait3A_722 = arith.constant 0 : i32
      %dma_wait3A_723 = arith.constant 384 : i32
      %dma_wait3A_724 = arith.constant 0 : i32
      %dma_wait3A_725 = tpu.memref_slice %arg6[%dma_wait3A_723, %dma_wait3A_724] : memref<512x64xf32, #tpu.memory_space<vmem>> -> memref<128x64xf32, #tpu.memory_space<vmem>>
      %dma_wait3A_726 = arith.constant 0 : i32
      %dma_wait3A_727 = tpu.memref_slice %arg5[%dma_wait3A_722, %dma_wait3A_726] : memref<200x128xi32, #tpu.memory_space<vmem>> -> memref<1x128xi32, #tpu.memory_space<vmem>>
      %dma_wait3A_728 = tpu.memref_squeeze %dma_wait3A_727 : memref<1x128xi32, #tpu.memory_space<vmem>> -> memref<128xi32, #tpu.memory_space<vmem>>
      %dma_wait3A_729 = arith.constant 0 : i32
      %dma_wait3A_730 = arith.constant 0 : i32
      %dma_wait3A_731 = tpu.memref_slice %arg3[%dma_wait3A_729, %dma_wait3A_730] : memref<1000000x64xf32, #tpu.memory_space<hbm>> -> memref<1000000x64xf32, #tpu.memory_space<hbm>>
      tpu.wait_indirect_dma semaphore(%arg9 : memref<!tpu.dma_semaphore, #tpu.memory_space<semaphore_mem>>) src(%dma_wait3A_731 : memref<1000000x64xf32, #tpu.memory_space<hbm>>) dst(%dma_wait3A_725 : memref<128x64xf32, #tpu.memory_space<vmem>>)
      %mul3A_732 = arith.constant 512 : i32
      %mul3A_733 = arith.muli %add3A_691, %mul3A_732 : i32
      %add3A_734 = arith.addi %mul3A_4, %mul3A_733 : i32
      %dma_start3A_735 = arith.constant 0 : i32
      %dma_start3A_736 = tpu.memref_slice %arg4[%add3A_734, %dma_start3A_735] : memref<819200x64xf32, #tpu.memory_space<hbm>> -> memref<512x64xf32, #tpu.memory_space<hbm>>
      %dma_start3A_737 = arith.constant 0 : i32
      %dma_start3A_738 = tpu.memref_slice %arg4[%add3A_734, %dma_start3A_737] : memref<819200x64xf32, #tpu.memory_space<hbm>> -> memref<512x64xf32, #tpu.memory_space<hbm>>
      tpu.enqueue_dma source(%arg6 : memref<512x64xf32, #tpu.memory_space<vmem>>) target(%dma_start3A_738 : memref<512x64xf32, #tpu.memory_space<hbm>>) target_semaphore(%arg12 : memref<!tpu.dma_semaphore, #tpu.memory_space<semaphore_mem>>)
      %dma_wait3A_739 = arith.constant 0 : i32
      %dma_wait3A_740 = tpu.memref_slice %arg4[%mul3A_4, %dma_wait3A_739] : memref<819200x64xf32, #tpu.memory_space<hbm>> -> memref<512x64xf32, #tpu.memory_space<hbm>>
      %dma_wait3A_741 = arith.constant 0 : i32
      %dma_wait3A_742 = tpu.memref_slice %arg4[%mul3A_4, %dma_wait3A_741] : memref<819200x64xf32, #tpu.memory_space<hbm>> -> memref<512x64xf32, #tpu.memory_space<hbm>>
      tpu.wait_dma2 semaphore(%arg14 : memref<!tpu.dma_semaphore, #tpu.memory_space<semaphore_mem>>) src(%arg8 : memref<512x64xf32, #tpu.memory_space<vmem>>) dst(%dma_wait3A_742 : memref<512x64xf32, #tpu.memory_space<hbm>>)
      %add3A_743 = arith.constant 2 : i32
      %add3A_744 = arith.addi %add3A_691, %add3A_743 : i32
      %mul3A_745 = arith.constant 4 : i32
      %mul3A_746 = arith.muli %add3A_744, %mul3A_745 : i32
      %add3A_747 = arith.constant 0 : i32
      %add3A_748 = arith.addi %mul3A_746, %add3A_747 : i32
      %dma_start3A_749 = arith.constant 0 : i32
      %dma_start3A_750 = arith.constant 0 : i32
      %dma_start3A_751 = tpu.memref_slice %arg8[%dma_start3A_749, %dma_start3A_750] : memref<512x64xf32, #tpu.memory_space<vmem>> -> memref<128x64xf32, #tpu.memory_space<vmem>>
      %dma_start3A_752 = arith.constant 0 : i32
      %dma_start3A_753 = tpu.memref_slice %arg5[%add3A_748, %dma_start3A_752] : memref<200x128xi32, #tpu.memory_space<vmem>> -> memref<1x128xi32, #tpu.memory_space<vmem>>
      %dma_start3A_754 = tpu.memref_squeeze %dma_start3A_753 : memref<1x128xi32, #tpu.memory_space<vmem>> -> memref<128xi32, #tpu.memory_space<vmem>>
      %dma_start3A_755 = arith.constant 0 : i32
      %dma_start3A_756 = arith.constant 0 : i32
      %dma_start3A_757 = tpu.memref_slice %arg3[%dma_start3A_755, %dma_start3A_756] : memref<1000000x64xf32, #tpu.memory_space<hbm>> -> memref<1000000x64xf32, #tpu.memory_space<hbm>>
      tpu.enqueue_indirect_dma source(%dma_start3A_757 : memref<1000000x64xf32, #tpu.memory_space<hbm>>) target(%dma_start3A_751 : memref<128x64xf32, #tpu.memory_space<vmem>>) offsets(%dma_start3A_754 : memref<128xi32, #tpu.memory_space<vmem>>) semaphore(%arg11 : memref<!tpu.dma_semaphore, #tpu.memory_space<semaphore_mem>>)
      %mul3A_758 = arith.constant 4 : i32
      %mul3A_759 = arith.muli %add3A_744, %mul3A_758 : i32
      %add3A_760 = arith.constant 1 : i32
      %add3A_761 = arith.addi %mul3A_759, %add3A_760 : i32
      %dma_start3A_762 = arith.constant 128 : i32
      %dma_start3A_763 = arith.constant 0 : i32
      %dma_start3A_764 = tpu.memref_slice %arg8[%dma_start3A_762, %dma_start3A_763] : memref<512x64xf32, #tpu.memory_space<vmem>> -> memref<128x64xf32, #tpu.memory_space<vmem>>
      %dma_start3A_765 = arith.constant 0 : i32
      %dma_start3A_766 = tpu.memref_slice %arg5[%add3A_761, %dma_start3A_765] : memref<200x128xi32, #tpu.memory_space<vmem>> -> memref<1x128xi32, #tpu.memory_space<vmem>>
      %dma_start3A_767 = tpu.memref_squeeze %dma_start3A_766 : memref<1x128xi32, #tpu.memory_space<vmem>> -> memref<128xi32, #tpu.memory_space<vmem>>
      %dma_start3A_768 = arith.constant 0 : i32
      %dma_start3A_769 = arith.constant 0 : i32
      %dma_start3A_770 = tpu.memref_slice %arg3[%dma_start3A_768, %dma_start3A_769] : memref<1000000x64xf32, #tpu.memory_space<hbm>> -> memref<1000000x64xf32, #tpu.memory_space<hbm>>
      tpu.enqueue_indirect_dma source(%dma_start3A_770 : memref<1000000x64xf32, #tpu.memory_space<hbm>>) target(%dma_start3A_764 : memref<128x64xf32, #tpu.memory_space<vmem>>) offsets(%dma_start3A_767 : memref<128xi32, #tpu.memory_space<vmem>>) semaphore(%arg11 : memref<!tpu.dma_semaphore, #tpu.memory_space<semaphore_mem>>)
      %mul3A_771 = arith.constant 4 : i32
      %mul3A_772 = arith.muli %add3A_744, %mul3A_771 : i32
      %add3A_773 = arith.constant 2 : i32
      %add3A_774 = arith.addi %mul3A_772, %add3A_773 : i32
      %dma_start3A_775 = arith.constant 256 : i32
      %dma_start3A_776 = arith.constant 0 : i32
      %dma_start3A_777 = tpu.memref_slice %arg8[%dma_start3A_775, %dma_start3A_776] : memref<512x64xf32, #tpu.memory_space<vmem>> -> memref<128x64xf32, #tpu.memory_space<vmem>>
      %dma_start3A_778 = arith.constant 0 : i32
      %dma_start3A_779 = tpu.memref_slice %arg5[%add3A_774, %dma_start3A_778] : memref<200x128xi32, #tpu.memory_space<vmem>> -> memref<1x128xi32, #tpu.memory_space<vmem>>
      %dma_start3A_780 = tpu.memref_squeeze %dma_start3A_779 : memref<1x128xi32, #tpu.memory_space<vmem>> -> memref<128xi32, #tpu.memory_space<vmem>>
      %dma_start3A_781 = arith.constant 0 : i32
      %dma_start3A_782 = arith.constant 0 : i32
      %dma_start3A_783 = tpu.memref_slice %arg3[%dma_start3A_781, %dma_start3A_782] : memref<1000000x64xf32, #tpu.memory_space<hbm>> -> memref<1000000x64xf32, #tpu.memory_space<hbm>>
      tpu.enqueue_indirect_dma source(%dma_start3A_783 : memref<1000000x64xf32, #tpu.memory_space<hbm>>) target(%dma_start3A_777 : memref<128x64xf32, #tpu.memory_space<vmem>>) offsets(%dma_start3A_780 : memref<128xi32, #tpu.memory_space<vmem>>) semaphore(%arg11 : memref<!tpu.dma_semaphore, #tpu.memory_space<semaphore_mem>>)
      %mul3A_784 = arith.constant 4 : i32
      %mul3A_785 = arith.muli %add3A_744, %mul3A_784 : i32
      %add3A_786 = arith.constant 3 : i32
      %add3A_787 = arith.addi %mul3A_785, %add3A_786 : i32
      %dma_start3A_788 = arith.constant 384 : i32
      %dma_start3A_789 = arith.constant 0 : i32
      %dma_start3A_790 = tpu.memref_slice %arg8[%dma_start3A_788, %dma_start3A_789] : memref<512x64xf32, #tpu.memory_space<vmem>> -> memref<128x64xf32, #tpu.memory_space<vmem>>
      %dma_start3A_791 = arith.constant 0 : i32
      %dma_start3A_792 = tpu.memref_slice %arg5[%add3A_787, %dma_start3A_791] : memref<200x128xi32, #tpu.memory_space<vmem>> -> memref<1x128xi32, #tpu.memory_space<vmem>>
      %dma_start3A_793 = tpu.memref_squeeze %dma_start3A_792 : memref<1x128xi32, #tpu.memory_space<vmem>> -> memref<128xi32, #tpu.memory_space<vmem>>
      %dma_start3A_794 = arith.constant 0 : i32
      %dma_start3A_795 = arith.constant 0 : i32
      %dma_start3A_796 = tpu.memref_slice %arg3[%dma_start3A_794, %dma_start3A_795] : memref<1000000x64xf32, #tpu.memory_space<hbm>> -> memref<1000000x64xf32, #tpu.memory_space<hbm>>
      tpu.enqueue_indirect_dma source(%dma_start3A_796 : memref<1000000x64xf32, #tpu.memory_space<hbm>>) target(%dma_start3A_790 : memref<128x64xf32, #tpu.memory_space<vmem>>) offsets(%dma_start3A_793 : memref<128xi32, #tpu.memory_space<vmem>>) semaphore(%arg11 : memref<!tpu.dma_semaphore, #tpu.memory_space<semaphore_mem>>)
    }
    %scan3A_174 = arith.constant 15 : i32
    %dma_wait3A_175 = arith.constant 0 : i32
    %dma_wait3A_176 = arith.constant 0 : i32
    %dma_wait3A_177 = arith.constant 0 : i32
    %dma_wait3A_178 = tpu.memref_slice %arg7[%dma_wait3A_176, %dma_wait3A_177] : memref<512x64xf32, #tpu.memory_space<vmem>> -> memref<128x64xf32, #tpu.memory_space<vmem>>
    %dma_wait3A_179 = arith.constant 0 : i32
    %dma_wait3A_180 = tpu.memref_slice %arg5[%dma_wait3A_175, %dma_wait3A_179] : memref<200x128xi32, #tpu.memory_space<vmem>> -> memref<1x128xi32, #tpu.memory_space<vmem>>
    %dma_wait3A_181 = tpu.memref_squeeze %dma_wait3A_180 : memref<1x128xi32, #tpu.memory_space<vmem>> -> memref<128xi32, #tpu.memory_space<vmem>>
    %dma_wait3A_182 = arith.constant 0 : i32
    %dma_wait3A_183 = arith.constant 0 : i32
    %dma_wait3A_184 = tpu.memref_slice %arg3[%dma_wait3A_182, %dma_wait3A_183] : memref<1000000x64xf32, #tpu.memory_space<hbm>> -> memref<1000000x64xf32, #tpu.memory_space<hbm>>
    tpu.wait_indirect_dma semaphore(%arg10 : memref<!tpu.dma_semaphore, #tpu.memory_space<semaphore_mem>>) src(%dma_wait3A_184 : memref<1000000x64xf32, #tpu.memory_space<hbm>>) dst(%dma_wait3A_178 : memref<128x64xf32, #tpu.memory_space<vmem>>)
    %dma_wait3A_185 = arith.constant 0 : i32
    %dma_wait3A_186 = arith.constant 128 : i32
    %dma_wait3A_187 = arith.constant 0 : i32
    %dma_wait3A_188 = tpu.memref_slice %arg7[%dma_wait3A_186, %dma_wait3A_187] : memref<512x64xf32, #tpu.memory_space<vmem>> -> memref<128x64xf32, #tpu.memory_space<vmem>>
    %dma_wait3A_189 = arith.constant 0 : i32
    %dma_wait3A_190 = tpu.memref_slice %arg5[%dma_wait3A_185, %dma_wait3A_189] : memref<200x128xi32, #tpu.memory_space<vmem>> -> memref<1x128xi32, #tpu.memory_space<vmem>>
    %dma_wait3A_191 = tpu.memref_squeeze %dma_wait3A_190 : memref<1x128xi32, #tpu.memory_space<vmem>> -> memref<128xi32, #tpu.memory_space<vmem>>
    %dma_wait3A_192 = arith.constant 0 : i32
    %dma_wait3A_193 = arith.constant 0 : i32
    %dma_wait3A_194 = tpu.memref_slice %arg3[%dma_wait3A_192, %dma_wait3A_193] : memref<1000000x64xf32, #tpu.memory_space<hbm>> -> memref<1000000x64xf32, #tpu.memory_space<hbm>>
    tpu.wait_indirect_dma semaphore(%arg10 : memref<!tpu.dma_semaphore, #tpu.memory_space<semaphore_mem>>) src(%dma_wait3A_194 : memref<1000000x64xf32, #tpu.memory_space<hbm>>) dst(%dma_wait3A_188 : memref<128x64xf32, #tpu.memory_space<vmem>>)
    %dma_wait3A_195 = arith.constant 0 : i32
    %dma_wait3A_196 = arith.constant 256 : i32
    %dma_wait3A_197 = arith.constant 0 : i32
    %dma_wait3A_198 = tpu.memref_slice %arg7[%dma_wait3A_196, %dma_wait3A_197] : memref<512x64xf32, #tpu.memory_space<vmem>> -> memref<128x64xf32, #tpu.memory_space<vmem>>
    %dma_wait3A_199 = arith.constant 0 : i32
    %dma_wait3A_200 = tpu.memref_slice %arg5[%dma_wait3A_195, %dma_wait3A_199] : memref<200x128xi32, #tpu.memory_space<vmem>> -> memref<1x128xi32, #tpu.memory_space<vmem>>
    %dma_wait3A_201 = tpu.memref_squeeze %dma_wait3A_200 : memref<1x128xi32, #tpu.memory_space<vmem>> -> memref<128xi32, #tpu.memory_space<vmem>>
    %dma_wait3A_202 = arith.constant 0 : i32
    %dma_wait3A_203 = arith.constant 0 : i32
    %dma_wait3A_204 = tpu.memref_slice %arg3[%dma_wait3A_202, %dma_wait3A_203] : memref<1000000x64xf32, #tpu.memory_space<hbm>> -> memref<1000000x64xf32, #tpu.memory_space<hbm>>
    tpu.wait_indirect_dma semaphore(%arg10 : memref<!tpu.dma_semaphore, #tpu.memory_space<semaphore_mem>>) src(%dma_wait3A_204 : memref<1000000x64xf32, #tpu.memory_space<hbm>>) dst(%dma_wait3A_198 : memref<128x64xf32, #tpu.memory_space<vmem>>)
    %dma_wait3A_205 = arith.constant 0 : i32
    %dma_wait3A_206 = arith.constant 384 : i32
    %dma_wait3A_207 = arith.constant 0 : i32
    %dma_wait3A_208 = tpu.memref_slice %arg7[%dma_wait3A_206, %dma_wait3A_207] : memref<512x64xf32, #tpu.memory_space<vmem>> -> memref<128x64xf32, #tpu.memory_space<vmem>>
    %dma_wait3A_209 = arith.constant 0 : i32
    %dma_wait3A_210 = tpu.memref_slice %arg5[%dma_wait3A_205, %dma_wait3A_209] : memref<200x128xi32, #tpu.memory_space<vmem>> -> memref<1x128xi32, #tpu.memory_space<vmem>>
    %dma_wait3A_211 = tpu.memref_squeeze %dma_wait3A_210 : memref<1x128xi32, #tpu.memory_space<vmem>> -> memref<128xi32, #tpu.memory_space<vmem>>
    %dma_wait3A_212 = arith.constant 0 : i32
    %dma_wait3A_213 = arith.constant 0 : i32
    %dma_wait3A_214 = tpu.memref_slice %arg3[%dma_wait3A_212, %dma_wait3A_213] : memref<1000000x64xf32, #tpu.memory_space<hbm>> -> memref<1000000x64xf32, #tpu.memory_space<hbm>>
    tpu.wait_indirect_dma semaphore(%arg10 : memref<!tpu.dma_semaphore, #tpu.memory_space<semaphore_mem>>) src(%dma_wait3A_214 : memref<1000000x64xf32, #tpu.memory_space<hbm>>) dst(%dma_wait3A_208 : memref<128x64xf32, #tpu.memory_space<vmem>>)
    %add3A_215 = arith.constant 23552 : i32
    %add3A_216 = arith.addi %mul3A_4, %add3A_215 : i32
    %dma_start3A_217 = arith.constant 0 : i32
    %dma_start3A_218 = tpu.memref_slice %arg4[%add3A_216, %dma_start3A_217] : memref<819200x64xf32, #tpu.memory_space<hbm>> -> memref<512x64xf32, #tpu.memory_space<hbm>>
    %dma_start3A_219 = arith.constant 0 : i32
    %dma_start3A_220 = tpu.memref_slice %arg4[%add3A_216, %dma_start3A_219] : memref<819200x64xf32, #tpu.memory_space<hbm>> -> memref<512x64xf32, #tpu.memory_space<hbm>>
    tpu.enqueue_dma source(%arg7 : memref<512x64xf32, #tpu.memory_space<vmem>>) target(%dma_start3A_220 : memref<512x64xf32, #tpu.memory_space<hbm>>) target_semaphore(%arg13 : memref<!tpu.dma_semaphore, #tpu.memory_space<semaphore_mem>>)
    %dma_wait3A_221 = arith.constant 0 : i32
    %dma_wait3A_222 = tpu.memref_slice %arg4[%mul3A_4, %dma_wait3A_221] : memref<819200x64xf32, #tpu.memory_space<hbm>> -> memref<512x64xf32, #tpu.memory_space<hbm>>
    %dma_wait3A_223 = arith.constant 0 : i32
    %dma_wait3A_224 = tpu.memref_slice %arg4[%mul3A_4, %dma_wait3A_223] : memref<819200x64xf32, #tpu.memory_space<hbm>> -> memref<512x64xf32, #tpu.memory_space<hbm>>
    tpu.wait_dma2 semaphore(%arg12 : memref<!tpu.dma_semaphore, #tpu.memory_space<semaphore_mem>>) src(%arg6 : memref<512x64xf32, #tpu.memory_space<vmem>>) dst(%dma_wait3A_224 : memref<512x64xf32, #tpu.memory_space<hbm>>)
    %dma_start3A_225 = arith.constant 192 : i32
    %dma_start3A_226 = arith.constant 0 : i32
    %dma_start3A_227 = arith.constant 0 : i32
    %dma_start3A_228 = tpu.memref_slice %arg6[%dma_start3A_226, %dma_start3A_227] : memref<512x64xf32, #tpu.memory_space<vmem>> -> memref<128x64xf32, #tpu.memory_space<vmem>>
    %dma_start3A_229 = arith.constant 0 : i32
    %dma_start3A_230 = tpu.memref_slice %arg5[%dma_start3A_225, %dma_start3A_229] : memref<200x128xi32, #tpu.memory_space<vmem>> -> memref<1x128xi32, #tpu.memory_space<vmem>>
    %dma_start3A_231 = tpu.memref_squeeze %dma_start3A_230 : memref<1x128xi32, #tpu.memory_space<vmem>> -> memref<128xi32, #tpu.memory_space<vmem>>
    %dma_start3A_232 = arith.constant 0 : i32
    %dma_start3A_233 = arith.constant 0 : i32
    %dma_start3A_234 = tpu.memref_slice %arg3[%dma_start3A_232, %dma_start3A_233] : memref<1000000x64xf32, #tpu.memory_space<hbm>> -> memref<1000000x64xf32, #tpu.memory_space<hbm>>
    tpu.enqueue_indirect_dma source(%dma_start3A_234 : memref<1000000x64xf32, #tpu.memory_space<hbm>>) target(%dma_start3A_228 : memref<128x64xf32, #tpu.memory_space<vmem>>) offsets(%dma_start3A_231 : memref<128xi32, #tpu.memory_space<vmem>>) semaphore(%arg9 : memref<!tpu.dma_semaphore, #tpu.memory_space<semaphore_mem>>)
    %dma_start3A_235 = arith.constant 193 : i32
    %dma_start3A_236 = arith.constant 128 : i32
    %dma_start3A_237 = arith.constant 0 : i32
    %dma_start3A_238 = tpu.memref_slice %arg6[%dma_start3A_236, %dma_start3A_237] : memref<512x64xf32, #tpu.memory_space<vmem>> -> memref<128x64xf32, #tpu.memory_space<vmem>>
    %dma_start3A_239 = arith.constant 0 : i32
    %dma_start3A_240 = tpu.memref_slice %arg5[%dma_start3A_235, %dma_start3A_239] : memref<200x128xi32, #tpu.memory_space<vmem>> -> memref<1x128xi32, #tpu.memory_space<vmem>>
    %dma_start3A_241 = tpu.memref_squeeze %dma_start3A_240 : memref<1x128xi32, #tpu.memory_space<vmem>> -> memref<128xi32, #tpu.memory_space<vmem>>
    %dma_start3A_242 = arith.constant 0 : i32
    %dma_start3A_243 = arith.constant 0 : i32
    %dma_start3A_244 = tpu.memref_slice %arg3[%dma_start3A_242, %dma_start3A_243] : memref<1000000x64xf32, #tpu.memory_space<hbm>> -> memref<1000000x64xf32, #tpu.memory_space<hbm>>
    tpu.enqueue_indirect_dma source(%dma_start3A_244 : memref<1000000x64xf32, #tpu.memory_space<hbm>>) target(%dma_start3A_238 : memref<128x64xf32, #tpu.memory_space<vmem>>) offsets(%dma_start3A_241 : memref<128xi32, #tpu.memory_space<vmem>>) semaphore(%arg9 : memref<!tpu.dma_semaphore, #tpu.memory_space<semaphore_mem>>)
    %dma_start3A_245 = arith.constant 194 : i32
    %dma_start3A_246 = arith.constant 256 : i32
    %dma_start3A_247 = arith.constant 0 : i32
    %dma_start3A_248 = tpu.memref_slice %arg6[%dma_start3A_246, %dma_start3A_247] : memref<512x64xf32, #tpu.memory_space<vmem>> -> memref<128x64xf32, #tpu.memory_space<vmem>>
    %dma_start3A_249 = arith.constant 0 : i32
    %dma_start3A_250 = tpu.memref_slice %arg5[%dma_start3A_245, %dma_start3A_249] : memref<200x128xi32, #tpu.memory_space<vmem>> -> memref<1x128xi32, #tpu.memory_space<vmem>>
    %dma_start3A_251 = tpu.memref_squeeze %dma_start3A_250 : memref<1x128xi32, #tpu.memory_space<vmem>> -> memref<128xi32, #tpu.memory_space<vmem>>
    %dma_start3A_252 = arith.constant 0 : i32
    %dma_start3A_253 = arith.constant 0 : i32
    %dma_start3A_254 = tpu.memref_slice %arg3[%dma_start3A_252, %dma_start3A_253] : memref<1000000x64xf32, #tpu.memory_space<hbm>> -> memref<1000000x64xf32, #tpu.memory_space<hbm>>
    tpu.enqueue_indirect_dma source(%dma_start3A_254 : memref<1000000x64xf32, #tpu.memory_space<hbm>>) target(%dma_start3A_248 : memref<128x64xf32, #tpu.memory_space<vmem>>) offsets(%dma_start3A_251 : memref<128xi32, #tpu.memory_space<vmem>>) semaphore(%arg9 : memref<!tpu.dma_semaphore, #tpu.memory_space<semaphore_mem>>)
    %dma_start3A_255 = arith.constant 195 : i32
    %dma_start3A_256 = arith.constant 384 : i32
    %dma_start3A_257 = arith.constant 0 : i32
    %dma_start3A_258 = tpu.memref_slice %arg6[%dma_start3A_256, %dma_start3A_257] : memref<512x64xf32, #tpu.memory_space<vmem>> -> memref<128x64xf32, #tpu.memory_space<vmem>>
    %dma_start3A_259 = arith.constant 0 : i32
    %dma_start3A_260 = tpu.memref_slice %arg5[%dma_start3A_255, %dma_start3A_259] : memref<200x128xi32, #tpu.memory_space<vmem>> -> memref<1x128xi32, #tpu.memory_space<vmem>>
    %dma_start3A_261 = tpu.memref_squeeze %dma_start3A_260 : memref<1x128xi32, #tpu.memory_space<vmem>> -> memref<128xi32, #tpu.memory_space<vmem>>
    %dma_start3A_262 = arith.constant 0 : i32
    %dma_start3A_263 = arith.constant 0 : i32
    %dma_start3A_264 = tpu.memref_slice %arg3[%dma_start3A_262, %dma_start3A_263] : memref<1000000x64xf32, #tpu.memory_space<hbm>> -> memref<1000000x64xf32, #tpu.memory_space<hbm>>
    tpu.enqueue_indirect_dma source(%dma_start3A_264 : memref<1000000x64xf32, #tpu.memory_space<hbm>>) target(%dma_start3A_258 : memref<128x64xf32, #tpu.memory_space<vmem>>) offsets(%dma_start3A_261 : memref<128xi32, #tpu.memory_space<vmem>>) semaphore(%arg9 : memref<!tpu.dma_semaphore, #tpu.memory_space<semaphore_mem>>)
    %dma_wait3A_265 = arith.constant 0 : i32
    %dma_wait3A_266 = arith.constant 0 : i32
    %dma_wait3A_267 = arith.constant 0 : i32
    %dma_wait3A_268 = tpu.memref_slice %arg8[%dma_wait3A_266, %dma_wait3A_267] : memref<512x64xf32, #tpu.memory_space<vmem>> -> memref<128x64xf32, #tpu.memory_space<vmem>>
    %dma_wait3A_269 = arith.constant 0 : i32
    %dma_wait3A_270 = tpu.memref_slice %arg5[%dma_wait3A_265, %dma_wait3A_269] : memref<200x128xi32, #tpu.memory_space<vmem>> -> memref<1x128xi32, #tpu.memory_space<vmem>>
    %dma_wait3A_271 = tpu.memref_squeeze %dma_wait3A_270 : memref<1x128xi32, #tpu.memory_space<vmem>> -> memref<128xi32, #tpu.memory_space<vmem>>
    %dma_wait3A_272 = arith.constant 0 : i32
    %dma_wait3A_273 = arith.constant 0 : i32
    %dma_wait3A_274 = tpu.memref_slice %arg3[%dma_wait3A_272, %dma_wait3A_273] : memref<1000000x64xf32, #tpu.memory_space<hbm>> -> memref<1000000x64xf32, #tpu.memory_space<hbm>>
    tpu.wait_indirect_dma semaphore(%arg11 : memref<!tpu.dma_semaphore, #tpu.memory_space<semaphore_mem>>) src(%dma_wait3A_274 : memref<1000000x64xf32, #tpu.memory_space<hbm>>) dst(%dma_wait3A_268 : memref<128x64xf32, #tpu.memory_space<vmem>>)
    %dma_wait3A_275 = arith.constant 0 : i32
    %dma_wait3A_276 = arith.constant 128 : i32
    %dma_wait3A_277 = arith.constant 0 : i32
    %dma_wait3A_278 = tpu.memref_slice %arg8[%dma_wait3A_276, %dma_wait3A_277] : memref<512x64xf32, #tpu.memory_space<vmem>> -> memref<128x64xf32, #tpu.memory_space<vmem>>
    %dma_wait3A_279 = arith.constant 0 : i32
    %dma_wait3A_280 = tpu.memref_slice %arg5[%dma_wait3A_275, %dma_wait3A_279] : memref<200x128xi32, #tpu.memory_space<vmem>> -> memref<1x128xi32, #tpu.memory_space<vmem>>
    %dma_wait3A_281 = tpu.memref_squeeze %dma_wait3A_280 : memref<1x128xi32, #tpu.memory_space<vmem>> -> memref<128xi32, #tpu.memory_space<vmem>>
    %dma_wait3A_282 = arith.constant 0 : i32
    %dma_wait3A_283 = arith.constant 0 : i32
    %dma_wait3A_284 = tpu.memref_slice %arg3[%dma_wait3A_282, %dma_wait3A_283] : memref<1000000x64xf32, #tpu.memory_space<hbm>> -> memref<1000000x64xf32, #tpu.memory_space<hbm>>
    tpu.wait_indirect_dma semaphore(%arg11 : memref<!tpu.dma_semaphore, #tpu.memory_space<semaphore_mem>>) src(%dma_wait3A_284 : memref<1000000x64xf32, #tpu.memory_space<hbm>>) dst(%dma_wait3A_278 : memref<128x64xf32, #tpu.memory_space<vmem>>)
    %dma_wait3A_285 = arith.constant 0 : i32
    %dma_wait3A_286 = arith.constant 256 : i32
    %dma_wait3A_287 = arith.constant 0 : i32
    %dma_wait3A_288 = tpu.memref_slice %arg8[%dma_wait3A_286, %dma_wait3A_287] : memref<512x64xf32, #tpu.memory_space<vmem>> -> memref<128x64xf32, #tpu.memory_space<vmem>>
    %dma_wait3A_289 = arith.constant 0 : i32
    %dma_wait3A_290 = tpu.memref_slice %arg5[%dma_wait3A_285, %dma_wait3A_289] : memref<200x128xi32, #tpu.memory_space<vmem>> -> memref<1x128xi32, #tpu.memory_space<vmem>>
    %dma_wait3A_291 = tpu.memref_squeeze %dma_wait3A_290 : memref<1x128xi32, #tpu.memory_space<vmem>> -> memref<128xi32, #tpu.memory_space<vmem>>
    %dma_wait3A_292 = arith.constant 0 : i32
    %dma_wait3A_293 = arith.constant 0 : i32
    %dma_wait3A_294 = tpu.memref_slice %arg3[%dma_wait3A_292, %dma_wait3A_293] : memref<1000000x64xf32, #tpu.memory_space<hbm>> -> memref<1000000x64xf32, #tpu.memory_space<hbm>>
    tpu.wait_indirect_dma semaphore(%arg11 : memref<!tpu.dma_semaphore, #tpu.memory_space<semaphore_mem>>) src(%dma_wait3A_294 : memref<1000000x64xf32, #tpu.memory_space<hbm>>) dst(%dma_wait3A_288 : memref<128x64xf32, #tpu.memory_space<vmem>>)
    %dma_wait3A_295 = arith.constant 0 : i32
    %dma_wait3A_296 = arith.constant 384 : i32
    %dma_wait3A_297 = arith.constant 0 : i32
    %dma_wait3A_298 = tpu.memref_slice %arg8[%dma_wait3A_296, %dma_wait3A_297] : memref<512x64xf32, #tpu.memory_space<vmem>> -> memref<128x64xf32, #tpu.memory_space<vmem>>
    %dma_wait3A_299 = arith.constant 0 : i32
    %dma_wait3A_300 = tpu.memref_slice %arg5[%dma_wait3A_295, %dma_wait3A_299] : memref<200x128xi32, #tpu.memory_space<vmem>> -> memref<1x128xi32, #tpu.memory_space<vmem>>
    %dma_wait3A_301 = tpu.memref_squeeze %dma_wait3A_300 : memref<1x128xi32, #tpu.memory_space<vmem>> -> memref<128xi32, #tpu.memory_space<vmem>>
    %dma_wait3A_302 = arith.constant 0 : i32
    %dma_wait3A_303 = arith.constant 0 : i32
    %dma_wait3A_304 = tpu.memref_slice %arg3[%dma_wait3A_302, %dma_wait3A_303] : memref<1000000x64xf32, #tpu.memory_space<hbm>> -> memref<1000000x64xf32, #tpu.memory_space<hbm>>
    tpu.wait_indirect_dma semaphore(%arg11 : memref<!tpu.dma_semaphore, #tpu.memory_space<semaphore_mem>>) src(%dma_wait3A_304 : memref<1000000x64xf32, #tpu.memory_space<hbm>>) dst(%dma_wait3A_298 : memref<128x64xf32, #tpu.memory_space<vmem>>)
    %add3A_305 = arith.constant 24064 : i32
    %add3A_306 = arith.addi %mul3A_4, %add3A_305 : i32
    %dma_start3A_307 = arith.constant 0 : i32
    %dma_start3A_308 = tpu.memref_slice %arg4[%add3A_306, %dma_start3A_307] : memref<819200x64xf32, #tpu.memory_space<hbm>> -> memref<512x64xf32, #tpu.memory_space<hbm>>
    %dma_start3A_309 = arith.constant 0 : i32
    %dma_start3A_310 = tpu.memref_slice %arg4[%add3A_306, %dma_start3A_309] : memref<819200x64xf32, #tpu.memory_space<hbm>> -> memref<512x64xf32, #tpu.memory_space<hbm>>
    tpu.enqueue_dma source(%arg8 : memref<512x64xf32, #tpu.memory_space<vmem>>) target(%dma_start3A_310 : memref<512x64xf32, #tpu.memory_space<hbm>>) target_semaphore(%arg14 : memref<!tpu.dma_semaphore, #tpu.memory_space<semaphore_mem>>)
    %dma_wait3A_311 = arith.constant 0 : i32
    %dma_wait3A_312 = tpu.memref_slice %arg4[%mul3A_4, %dma_wait3A_311] : memref<819200x64xf32, #tpu.memory_space<hbm>> -> memref<512x64xf32, #tpu.memory_space<hbm>>
    %dma_wait3A_313 = arith.constant 0 : i32
    %dma_wait3A_314 = tpu.memref_slice %arg4[%mul3A_4, %dma_wait3A_313] : memref<819200x64xf32, #tpu.memory_space<hbm>> -> memref<512x64xf32, #tpu.memory_space<hbm>>
    tpu.wait_dma2 semaphore(%arg13 : memref<!tpu.dma_semaphore, #tpu.memory_space<semaphore_mem>>) src(%arg7 : memref<512x64xf32, #tpu.memory_space<vmem>>) dst(%dma_wait3A_314 : memref<512x64xf32, #tpu.memory_space<hbm>>)
    %dma_start3A_315 = arith.constant 196 : i32
    %dma_start3A_316 = arith.constant 0 : i32
    %dma_start3A_317 = arith.constant 0 : i32
    %dma_start3A_318 = tpu.memref_slice %arg7[%dma_start3A_316, %dma_start3A_317] : memref<512x64xf32, #tpu.memory_space<vmem>> -> memref<128x64xf32, #tpu.memory_space<vmem>>
    %dma_start3A_319 = arith.constant 0 : i32
    %dma_start3A_320 = tpu.memref_slice %arg5[%dma_start3A_315, %dma_start3A_319] : memref<200x128xi32, #tpu.memory_space<vmem>> -> memref<1x128xi32, #tpu.memory_space<vmem>>
    %dma_start3A_321 = tpu.memref_squeeze %dma_start3A_320 : memref<1x128xi32, #tpu.memory_space<vmem>> -> memref<128xi32, #tpu.memory_space<vmem>>
    %dma_start3A_322 = arith.constant 0 : i32
    %dma_start3A_323 = arith.constant 0 : i32
    %dma_start3A_324 = tpu.memref_slice %arg3[%dma_start3A_322, %dma_start3A_323] : memref<1000000x64xf32, #tpu.memory_space<hbm>> -> memref<1000000x64xf32, #tpu.memory_space<hbm>>
    tpu.enqueue_indirect_dma source(%dma_start3A_324 : memref<1000000x64xf32, #tpu.memory_space<hbm>>) target(%dma_start3A_318 : memref<128x64xf32, #tpu.memory_space<vmem>>) offsets(%dma_start3A_321 : memref<128xi32, #tpu.memory_space<vmem>>) semaphore(%arg10 : memref<!tpu.dma_semaphore, #tpu.memory_space<semaphore_mem>>)
    %dma_start3A_325 = arith.constant 197 : i32
    %dma_start3A_326 = arith.constant 128 : i32
    %dma_start3A_327 = arith.constant 0 : i32
    %dma_start3A_328 = tpu.memref_slice %arg7[%dma_start3A_326, %dma_start3A_327] : memref<512x64xf32, #tpu.memory_space<vmem>> -> memref<128x64xf32, #tpu.memory_space<vmem>>
    %dma_start3A_329 = arith.constant 0 : i32
    %dma_start3A_330 = tpu.memref_slice %arg5[%dma_start3A_325, %dma_start3A_329] : memref<200x128xi32, #tpu.memory_space<vmem>> -> memref<1x128xi32, #tpu.memory_space<vmem>>
    %dma_start3A_331 = tpu.memref_squeeze %dma_start3A_330 : memref<1x128xi32, #tpu.memory_space<vmem>> -> memref<128xi32, #tpu.memory_space<vmem>>
    %dma_start3A_332 = arith.constant 0 : i32
    %dma_start3A_333 = arith.constant 0 : i32
    %dma_start3A_334 = tpu.memref_slice %arg3[%dma_start3A_332, %dma_start3A_333] : memref<1000000x64xf32, #tpu.memory_space<hbm>> -> memref<1000000x64xf32, #tpu.memory_space<hbm>>
    tpu.enqueue_indirect_dma source(%dma_start3A_334 : memref<1000000x64xf32, #tpu.memory_space<hbm>>) target(%dma_start3A_328 : memref<128x64xf32, #tpu.memory_space<vmem>>) offsets(%dma_start3A_331 : memref<128xi32, #tpu.memory_space<vmem>>) semaphore(%arg10 : memref<!tpu.dma_semaphore, #tpu.memory_space<semaphore_mem>>)
    %dma_start3A_335 = arith.constant 198 : i32
    %dma_start3A_336 = arith.constant 256 : i32
    %dma_start3A_337 = arith.constant 0 : i32
    %dma_start3A_338 = tpu.memref_slice %arg7[%dma_start3A_336, %dma_start3A_337] : memref<512x64xf32, #tpu.memory_space<vmem>> -> memref<128x64xf32, #tpu.memory_space<vmem>>
    %dma_start3A_339 = arith.constant 0 : i32
    %dma_start3A_340 = tpu.memref_slice %arg5[%dma_start3A_335, %dma_start3A_339] : memref<200x128xi32, #tpu.memory_space<vmem>> -> memref<1x128xi32, #tpu.memory_space<vmem>>
    %dma_start3A_341 = tpu.memref_squeeze %dma_start3A_340 : memref<1x128xi32, #tpu.memory_space<vmem>> -> memref<128xi32, #tpu.memory_space<vmem>>
    %dma_start3A_342 = arith.constant 0 : i32
    %dma_start3A_343 = arith.constant 0 : i32
    %dma_start3A_344 = tpu.memref_slice %arg3[%dma_start3A_342, %dma_start3A_343] : memref<1000000x64xf32, #tpu.memory_space<hbm>> -> memref<1000000x64xf32, #tpu.memory_space<hbm>>
    tpu.enqueue_indirect_dma source(%dma_start3A_344 : memref<1000000x64xf32, #tpu.memory_space<hbm>>) target(%dma_start3A_338 : memref<128x64xf32, #tpu.memory_space<vmem>>) offsets(%dma_start3A_341 : memref<128xi32, #tpu.memory_space<vmem>>) semaphore(%arg10 : memref<!tpu.dma_semaphore, #tpu.memory_space<semaphore_mem>>)
    %dma_start3A_345 = arith.constant 199 : i32
    %dma_start3A_346 = arith.constant 384 : i32
    %dma_start3A_347 = arith.constant 0 : i32
    %dma_start3A_348 = tpu.memref_slice %arg7[%dma_start3A_346, %dma_start3A_347] : memref<512x64xf32, #tpu.memory_space<vmem>> -> memref<128x64xf32, #tpu.memory_space<vmem>>
    %dma_start3A_349 = arith.constant 0 : i32
    %dma_start3A_350 = tpu.memref_slice %arg5[%dma_start3A_345, %dma_start3A_349] : memref<200x128xi32, #tpu.memory_space<vmem>> -> memref<1x128xi32, #tpu.memory_space<vmem>>
    %dma_start3A_351 = tpu.memref_squeeze %dma_start3A_350 : memref<1x128xi32, #tpu.memory_space<vmem>> -> memref<128xi32, #tpu.memory_space<vmem>>
    %dma_start3A_352 = arith.constant 0 : i32
    %dma_start3A_353 = arith.constant 0 : i32
    %dma_start3A_354 = tpu.memref_slice %arg3[%dma_start3A_352, %dma_start3A_353] : memref<1000000x64xf32, #tpu.memory_space<hbm>> -> memref<1000000x64xf32, #tpu.memory_space<hbm>>
    tpu.enqueue_indirect_dma source(%dma_start3A_354 : memref<1000000x64xf32, #tpu.memory_space<hbm>>) target(%dma_start3A_348 : memref<128x64xf32, #tpu.memory_space<vmem>>) offsets(%dma_start3A_351 : memref<128xi32, #tpu.memory_space<vmem>>) semaphore(%arg10 : memref<!tpu.dma_semaphore, #tpu.memory_space<semaphore_mem>>)
    %dma_wait3A_355 = arith.constant 0 : i32
    %dma_wait3A_356 = arith.constant 0 : i32
    %dma_wait3A_357 = arith.constant 0 : i32
    %dma_wait3A_358 = tpu.memref_slice %arg6[%dma_wait3A_356, %dma_wait3A_357] : memref<512x64xf32, #tpu.memory_space<vmem>> -> memref<128x64xf32, #tpu.memory_space<vmem>>
    %dma_wait3A_359 = arith.constant 0 : i32
    %dma_wait3A_360 = tpu.memref_slice %arg5[%dma_wait3A_355, %dma_wait3A_359] : memref<200x128xi32, #tpu.memory_space<vmem>> -> memref<1x128xi32, #tpu.memory_space<vmem>>
    %dma_wait3A_361 = tpu.memref_squeeze %dma_wait3A_360 : memref<1x128xi32, #tpu.memory_space<vmem>> -> memref<128xi32, #tpu.memory_space<vmem>>
    %dma_wait3A_362 = arith.constant 0 : i32
    %dma_wait3A_363 = arith.constant 0 : i32
    %dma_wait3A_364 = tpu.memref_slice %arg3[%dma_wait3A_362, %dma_wait3A_363] : memref<1000000x64xf32, #tpu.memory_space<hbm>> -> memref<1000000x64xf32, #tpu.memory_space<hbm>>
    tpu.wait_indirect_dma semaphore(%arg9 : memref<!tpu.dma_semaphore, #tpu.memory_space<semaphore_mem>>) src(%dma_wait3A_364 : memref<1000000x64xf32, #tpu.memory_space<hbm>>) dst(%dma_wait3A_358 : memref<128x64xf32, #tpu.memory_space<vmem>>)
    %dma_wait3A_365 = arith.constant 0 : i32
    %dma_wait3A_366 = arith.constant 128 : i32
    %dma_wait3A_367 = arith.constant 0 : i32
    %dma_wait3A_368 = tpu.memref_slice %arg6[%dma_wait3A_366, %dma_wait3A_367] : memref<512x64xf32, #tpu.memory_space<vmem>> -> memref<128x64xf32, #tpu.memory_space<vmem>>
    %dma_wait3A_369 = arith.constant 0 : i32
    %dma_wait3A_370 = tpu.memref_slice %arg5[%dma_wait3A_365, %dma_wait3A_369] : memref<200x128xi32, #tpu.memory_space<vmem>> -> memref<1x128xi32, #tpu.memory_space<vmem>>
    %dma_wait3A_371 = tpu.memref_squeeze %dma_wait3A_370 : memref<1x128xi32, #tpu.memory_space<vmem>> -> memref<128xi32, #tpu.memory_space<vmem>>
    %dma_wait3A_372 = arith.constant 0 : i32
    %dma_wait3A_373 = arith.constant 0 : i32
    %dma_wait3A_374 = tpu.memref_slice %arg3[%dma_wait3A_372, %dma_wait3A_373] : memref<1000000x64xf32, #tpu.memory_space<hbm>> -> memref<1000000x64xf32, #tpu.memory_space<hbm>>
    tpu.wait_indirect_dma semaphore(%arg9 : memref<!tpu.dma_semaphore, #tpu.memory_space<semaphore_mem>>) src(%dma_wait3A_374 : memref<1000000x64xf32, #tpu.memory_space<hbm>>) dst(%dma_wait3A_368 : memref<128x64xf32, #tpu.memory_space<vmem>>)
    %dma_wait3A_375 = arith.constant 0 : i32
    %dma_wait3A_376 = arith.constant 256 : i32
    %dma_wait3A_377 = arith.constant 0 : i32
    %dma_wait3A_378 = tpu.memref_slice %arg6[%dma_wait3A_376, %dma_wait3A_377] : memref<512x64xf32, #tpu.memory_space<vmem>> -> memref<128x64xf32, #tpu.memory_space<vmem>>
    %dma_wait3A_379 = arith.constant 0 : i32
    %dma_wait3A_380 = tpu.memref_slice %arg5[%dma_wait3A_375, %dma_wait3A_379] : memref<200x128xi32, #tpu.memory_space<vmem>> -> memref<1x128xi32, #tpu.memory_space<vmem>>
    %dma_wait3A_381 = tpu.memref_squeeze %dma_wait3A_380 : memref<1x128xi32, #tpu.memory_space<vmem>> -> memref<128xi32, #tpu.memory_space<vmem>>
    %dma_wait3A_382 = arith.constant 0 : i32
    %dma_wait3A_383 = arith.constant 0 : i32
    %dma_wait3A_384 = tpu.memref_slice %arg3[%dma_wait3A_382, %dma_wait3A_383] : memref<1000000x64xf32, #tpu.memory_space<hbm>> -> memref<1000000x64xf32, #tpu.memory_space<hbm>>
    tpu.wait_indirect_dma semaphore(%arg9 : memref<!tpu.dma_semaphore, #tpu.memory_space<semaphore_mem>>) src(%dma_wait3A_384 : memref<1000000x64xf32, #tpu.memory_space<hbm>>) dst(%dma_wait3A_378 : memref<128x64xf32, #tpu.memory_space<vmem>>)
    %dma_wait3A_385 = arith.constant 0 : i32
    %dma_wait3A_386 = arith.constant 384 : i32
    %dma_wait3A_387 = arith.constant 0 : i32
    %dma_wait3A_388 = tpu.memref_slice %arg6[%dma_wait3A_386, %dma_wait3A_387] : memref<512x64xf32, #tpu.memory_space<vmem>> -> memref<128x64xf32, #tpu.memory_space<vmem>>
    %dma_wait3A_389 = arith.constant 0 : i32
    %dma_wait3A_390 = tpu.memref_slice %arg5[%dma_wait3A_385, %dma_wait3A_389] : memref<200x128xi32, #tpu.memory_space<vmem>> -> memref<1x128xi32, #tpu.memory_space<vmem>>
    %dma_wait3A_391 = tpu.memref_squeeze %dma_wait3A_390 : memref<1x128xi32, #tpu.memory_space<vmem>> -> memref<128xi32, #tpu.memory_space<vmem>>
    %dma_wait3A_392 = arith.constant 0 : i32
    %dma_wait3A_393 = arith.constant 0 : i32
    %dma_wait3A_394 = tpu.memref_slice %arg3[%dma_wait3A_392, %dma_wait3A_393] : memref<1000000x64xf32, #tpu.memory_space<hbm>> -> memref<1000000x64xf32, #tpu.memory_space<hbm>>
    tpu.wait_indirect_dma semaphore(%arg9 : memref<!tpu.dma_semaphore, #tpu.memory_space<semaphore_mem>>) src(%dma_wait3A_394 : memref<1000000x64xf32, #tpu.memory_space<hbm>>) dst(%dma_wait3A_388 : memref<128x64xf32, #tpu.memory_space<vmem>>)
    %add3A_395 = arith.constant 24576 : i32
    %add3A_396 = arith.addi %mul3A_4, %add3A_395 : i32
    %dma_start3A_397 = arith.constant 0 : i32
    %dma_start3A_398 = tpu.memref_slice %arg4[%add3A_396, %dma_start3A_397] : memref<819200x64xf32, #tpu.memory_space<hbm>> -> memref<512x64xf32, #tpu.memory_space<hbm>>
    %dma_start3A_399 = arith.constant 0 : i32
    %dma_start3A_400 = tpu.memref_slice %arg4[%add3A_396, %dma_start3A_399] : memref<819200x64xf32, #tpu.memory_space<hbm>> -> memref<512x64xf32, #tpu.memory_space<hbm>>
    tpu.enqueue_dma source(%arg6 : memref<512x64xf32, #tpu.memory_space<vmem>>) target(%dma_start3A_400 : memref<512x64xf32, #tpu.memory_space<hbm>>) target_semaphore(%arg12 : memref<!tpu.dma_semaphore, #tpu.memory_space<semaphore_mem>>)
    %dma_wait3A_401 = arith.constant 0 : i32
    %dma_wait3A_402 = arith.constant 0 : i32
    %dma_wait3A_403 = arith.constant 0 : i32
    %dma_wait3A_404 = tpu.memref_slice %arg7[%dma_wait3A_402, %dma_wait3A_403] : memref<512x64xf32, #tpu.memory_space<vmem>> -> memref<128x64xf32, #tpu.memory_space<vmem>>
    %dma_wait3A_405 = arith.constant 0 : i32
    %dma_wait3A_406 = tpu.memref_slice %arg5[%dma_wait3A_401, %dma_wait3A_405] : memref<200x128xi32, #tpu.memory_space<vmem>> -> memref<1x128xi32, #tpu.memory_space<vmem>>
    %dma_wait3A_407 = tpu.memref_squeeze %dma_wait3A_406 : memref<1x128xi32, #tpu.memory_space<vmem>> -> memref<128xi32, #tpu.memory_space<vmem>>
    %dma_wait3A_408 = arith.constant 0 : i32
    %dma_wait3A_409 = arith.constant 0 : i32
    %dma_wait3A_410 = tpu.memref_slice %arg3[%dma_wait3A_408, %dma_wait3A_409] : memref<1000000x64xf32, #tpu.memory_space<hbm>> -> memref<1000000x64xf32, #tpu.memory_space<hbm>>
    tpu.wait_indirect_dma semaphore(%arg10 : memref<!tpu.dma_semaphore, #tpu.memory_space<semaphore_mem>>) src(%dma_wait3A_410 : memref<1000000x64xf32, #tpu.memory_space<hbm>>) dst(%dma_wait3A_404 : memref<128x64xf32, #tpu.memory_space<vmem>>)
    %dma_wait3A_411 = arith.constant 0 : i32
    %dma_wait3A_412 = arith.constant 128 : i32
    %dma_wait3A_413 = arith.constant 0 : i32
    %dma_wait3A_414 = tpu.memref_slice %arg7[%dma_wait3A_412, %dma_wait3A_413] : memref<512x64xf32, #tpu.memory_space<vmem>> -> memref<128x64xf32, #tpu.memory_space<vmem>>
    %dma_wait3A_415 = arith.constant 0 : i32
    %dma_wait3A_416 = tpu.memref_slice %arg5[%dma_wait3A_411, %dma_wait3A_415] : memref<200x128xi32, #tpu.memory_space<vmem>> -> memref<1x128xi32, #tpu.memory_space<vmem>>
    %dma_wait3A_417 = tpu.memref_squeeze %dma_wait3A_416 : memref<1x128xi32, #tpu.memory_space<vmem>> -> memref<128xi32, #tpu.memory_space<vmem>>
    %dma_wait3A_418 = arith.constant 0 : i32
    %dma_wait3A_419 = arith.constant 0 : i32
    %dma_wait3A_420 = tpu.memref_slice %arg3[%dma_wait3A_418, %dma_wait3A_419] : memref<1000000x64xf32, #tpu.memory_space<hbm>> -> memref<1000000x64xf32, #tpu.memory_space<hbm>>
    tpu.wait_indirect_dma semaphore(%arg10 : memref<!tpu.dma_semaphore, #tpu.memory_space<semaphore_mem>>) src(%dma_wait3A_420 : memref<1000000x64xf32, #tpu.memory_space<hbm>>) dst(%dma_wait3A_414 : memref<128x64xf32, #tpu.memory_space<vmem>>)
    %dma_wait3A_421 = arith.constant 0 : i32
    %dma_wait3A_422 = arith.constant 256 : i32
    %dma_wait3A_423 = arith.constant 0 : i32
    %dma_wait3A_424 = tpu.memref_slice %arg7[%dma_wait3A_422, %dma_wait3A_423] : memref<512x64xf32, #tpu.memory_space<vmem>> -> memref<128x64xf32, #tpu.memory_space<vmem>>
    %dma_wait3A_425 = arith.constant 0 : i32
    %dma_wait3A_426 = tpu.memref_slice %arg5[%dma_wait3A_421, %dma_wait3A_425] : memref<200x128xi32, #tpu.memory_space<vmem>> -> memref<1x128xi32, #tpu.memory_space<vmem>>
    %dma_wait3A_427 = tpu.memref_squeeze %dma_wait3A_426 : memref<1x128xi32, #tpu.memory_space<vmem>> -> memref<128xi32, #tpu.memory_space<vmem>>
    %dma_wait3A_428 = arith.constant 0 : i32
    %dma_wait3A_429 = arith.constant 0 : i32
    %dma_wait3A_430 = tpu.memref_slice %arg3[%dma_wait3A_428, %dma_wait3A_429] : memref<1000000x64xf32, #tpu.memory_space<hbm>> -> memref<1000000x64xf32, #tpu.memory_space<hbm>>
    tpu.wait_indirect_dma semaphore(%arg10 : memref<!tpu.dma_semaphore, #tpu.memory_space<semaphore_mem>>) src(%dma_wait3A_430 : memref<1000000x64xf32, #tpu.memory_space<hbm>>) dst(%dma_wait3A_424 : memref<128x64xf32, #tpu.memory_space<vmem>>)
    %dma_wait3A_431 = arith.constant 0 : i32
    %dma_wait3A_432 = arith.constant 384 : i32
    %dma_wait3A_433 = arith.constant 0 : i32
    %dma_wait3A_434 = tpu.memref_slice %arg7[%dma_wait3A_432, %dma_wait3A_433] : memref<512x64xf32, #tpu.memory_space<vmem>> -> memref<128x64xf32, #tpu.memory_space<vmem>>
    %dma_wait3A_435 = arith.constant 0 : i32
    %dma_wait3A_436 = tpu.memref_slice %arg5[%dma_wait3A_431, %dma_wait3A_435] : memref<200x128xi32, #tpu.memory_space<vmem>> -> memref<1x128xi32, #tpu.memory_space<vmem>>
    %dma_wait3A_437 = tpu.memref_squeeze %dma_wait3A_436 : memref<1x128xi32, #tpu.memory_space<vmem>> -> memref<128xi32, #tpu.memory_space<vmem>>
    %dma_wait3A_438 = arith.constant 0 : i32
    %dma_wait3A_439 = arith.constant 0 : i32
    %dma_wait3A_440 = tpu.memref_slice %arg3[%dma_wait3A_438, %dma_wait3A_439] : memref<1000000x64xf32, #tpu.memory_space<hbm>> -> memref<1000000x64xf32, #tpu.memory_space<hbm>>
    tpu.wait_indirect_dma semaphore(%arg10 : memref<!tpu.dma_semaphore, #tpu.memory_space<semaphore_mem>>) src(%dma_wait3A_440 : memref<1000000x64xf32, #tpu.memory_space<hbm>>) dst(%dma_wait3A_434 : memref<128x64xf32, #tpu.memory_space<vmem>>)
    %add3A_441 = arith.constant 25088 : i32
    %add3A_442 = arith.addi %mul3A_4, %add3A_441 : i32
    %dma_start3A_443 = arith.constant 0 : i32
    %dma_start3A_444 = tpu.memref_slice %arg4[%add3A_442, %dma_start3A_443] : memref<819200x64xf32, #tpu.memory_space<hbm>> -> memref<512x64xf32, #tpu.memory_space<hbm>>
    %dma_start3A_445 = arith.constant 0 : i32
    %dma_start3A_446 = tpu.memref_slice %arg4[%add3A_442, %dma_start3A_445] : memref<819200x64xf32, #tpu.memory_space<hbm>> -> memref<512x64xf32, #tpu.memory_space<hbm>>
    tpu.enqueue_dma source(%arg7 : memref<512x64xf32, #tpu.memory_space<vmem>>) target(%dma_start3A_446 : memref<512x64xf32, #tpu.memory_space<hbm>>) target_semaphore(%arg13 : memref<!tpu.dma_semaphore, #tpu.memory_space<semaphore_mem>>)
    %dma_wait3A_447 = arith.constant 0 : i32
    %dma_wait3A_448 = tpu.memref_slice %arg4[%mul3A_4, %dma_wait3A_447] : memref<819200x64xf32, #tpu.memory_space<hbm>> -> memref<512x64xf32, #tpu.memory_space<hbm>>
    %dma_wait3A_449 = arith.constant 0 : i32
    %dma_wait3A_450 = tpu.memref_slice %arg4[%mul3A_4, %dma_wait3A_449] : memref<819200x64xf32, #tpu.memory_space<hbm>> -> memref<512x64xf32, #tpu.memory_space<hbm>>
    tpu.wait_dma2 semaphore(%arg12 : memref<!tpu.dma_semaphore, #tpu.memory_space<semaphore_mem>>) src(%arg6 : memref<512x64xf32, #tpu.memory_space<vmem>>) dst(%dma_wait3A_450 : memref<512x64xf32, #tpu.memory_space<hbm>>)
    %dma_wait3A_451 = arith.constant 0 : i32
    %dma_wait3A_452 = tpu.memref_slice %arg4[%mul3A_4, %dma_wait3A_451] : memref<819200x64xf32, #tpu.memory_space<hbm>> -> memref<512x64xf32, #tpu.memory_space<hbm>>
    %dma_wait3A_453 = arith.constant 0 : i32
    %dma_wait3A_454 = tpu.memref_slice %arg4[%mul3A_4, %dma_wait3A_453] : memref<819200x64xf32, #tpu.memory_space<hbm>> -> memref<512x64xf32, #tpu.memory_space<hbm>>
    tpu.wait_dma2 semaphore(%arg13 : memref<!tpu.dma_semaphore, #tpu.memory_space<semaphore_mem>>) src(%arg7 : memref<512x64xf32, #tpu.memory_space<vmem>>) dst(%dma_wait3A_454 : memref<512x64xf32, #tpu.memory_space<hbm>>)
    %dma_wait3A_455 = arith.constant 0 : i32
    %dma_wait3A_456 = tpu.memref_slice %arg4[%mul3A_4, %dma_wait3A_455] : memref<819200x64xf32, #tpu.memory_space<hbm>> -> memref<512x64xf32, #tpu.memory_space<hbm>>
    %dma_wait3A_457 = arith.constant 0 : i32
    %dma_wait3A_458 = tpu.memref_slice %arg4[%mul3A_4, %dma_wait3A_457] : memref<819200x64xf32, #tpu.memory_space<hbm>> -> memref<512x64xf32, #tpu.memory_space<hbm>>
    tpu.wait_dma2 semaphore(%arg14 : memref<!tpu.dma_semaphore, #tpu.memory_space<semaphore_mem>>) src(%arg8 : memref<512x64xf32, #tpu.memory_space<vmem>>) dst(%dma_wait3A_458 : memref<512x64xf32, #tpu.memory_space<hbm>>)
    return
  }
}

</mosaic_0001>

<sc_bundles>
// kernel: kernel.3.cloned.1.call-start
scs
__scs_entry_jumppad:
0x0: {  	(pc) =	sbr.rel $0x88, $3  }
0x1: {  	(tag) =	ssettag $0x0;
	lr =	simm.s32 $0x1  }
0x2: {  	[smem:$0x3F9F] =	sst lr;
	_ =	strace $0xD0000000  }
0x3: {  	_ = 	snop  }
0x4: {  	_ = 	snop  }
0x5: {  	_ = 	snop  }
0x6: {  	_ = 	snop  }
0x7: {  	_ = 	snop  }
__scs_overlays_trampoline_lowered:
0x8: {  	[smem:$0x3FAE] =	sst s0  }
0x9: {  	[smem:$0x3FAF] =	sst s1  }
0xa: {  	[smem:$0x3FB0] =	sst s2  }
0xb: {  	[smem:$0x3FB1] =	sst s3  }
0xc: {  	[smem:$0x3FB2] =	sst s4  }
0xd: {  	[smem:$0x3FB3] =	sst s5  }
0xe: {  	[smem:$0x3FB4] =	sst s6  }
0xf: {  	[smem:$0x3FB5] =	sst s7  }
0x10: {  	[smem:$0x3FB6] =	sst s8  }
0x11: {  	[smem:$0x3FB7] =	sst s9;
	s0 =	simm.s32 @!p0 $0x0  }
0x12: {  	s1 =	sld [smem:$0x3F9D];
	s0 =	simm.s32 @p0 $0x1  }
0x13: {  	[smem:$0x3FB8] =	sst s0;
	s0 =	simm.s32 @!p1 $0x0  }
0x14: {  	s2 =	sld [smem:$0x3F9C];
	s0 =	simm.s32 @p1 $0x1  }
0x15: {  	[smem:$0x3FB9] =	sst s0;
	s0 =	simm.s32 @!p2 $0x0  }
0x16: {  	s3 =	sld [smem:$0x3FDB];
	s0 =	simm.s32 @p2 $0x1  }
0x17: {  	s4 =	simm.s32 $0x1BF5;
	[smem:$0x3FBB] =	sst s0  }
0x18: {  	s0 =	sld [smem:$0x3F9E];
	_ =	swait.ge [sflag:s4], $0x0  }
0x19: {  	s7 =	sld [smem:$0x3F9F]  }
0x1a: {  	s8 =	sadd.s32 $0xFFFFE003, lr  }
0x1b: {  	s9 =	sadd.s32 $0xFFFFFEF7, lr;
	s5 =	simm.s32 $0xFFFFFFFF;
	p2 =	slt.u32 s8, $0xFFFFF086  }
0x1c: {  	p1 =	slt.u32 s9, $0xF7A;
	s5 =	simm.s32 @!p2 $0x0  }
0x1d: {  	s5 =	simm.s32 @p1 $0x1;
	p0 =	seq.s32 s7, s2  }
0x1e: {  	s7 =	smul.u32 @!p0 $0xF7A, s2;
	p2 =	seq.s32 @!p0 s5, $0x0  }
0x1f: {  	s9 =	smul.u32 $0xF7A, s1;
	s8 =	simm.s32 @!p0 $0x1BF5;
	p2 =	por !p2, p0  }
0x20: {  	[sflag:s8] =	ssyncset.s32 @!p0 $0xFFFFF086;
	s6 =	sadd.s32 @!p0 s3, s7;
	s7 =	simm.s32 @!p0 $0x108  }
0x21: {  	s3 =	sadd.s32 s3, s9;
	s6 =	sadd.s32 @!p0 $0x88, s6;
	s7 =	simm.s32 @p2 $0x1082  }
0x22: {  	[simem:s7], [sflag:s8] =	dma.local @!p0 [hbm:s6], $0xF7A  }
0x23: {  	s9 =	sor.u32 $0xD0000000, s2;
	s6 =	simm.s32 $0x108;
	_ =	swait.ge @!p0 [sflag:s8], $0x0  }
0x24: {  	s3 =	sadd.s32 $0x88, s3;
	s6 =	simm.s32 @!p1 $0x1082;
	[sflag:s4] =	ssyncset.s32 $0xFFFFF086  }
0x25: {  	[simem:s6], [sflag:s4] =	dma.local [hbm:s3], $0xF7A  }
0x26: {  	[smem:$0x3F9F] =	sst s1;
	(tag) =	ssettag s2;
	_ =	strace s9  }
0x27: {  	s1 =	sld [smem:$0x3FAF]  }
0x28: {  	s2 =	sld [smem:$0x3FB0]  }
0x29: {  	s4 =	sld [smem:$0x3FB2]  }
0x2a: {  	p0 =	seq.s32 s5, $0x0;
	s5 =	sld [smem:$0x3FB3]  }
0x2b: {  	s6 =	sld [smem:$0x3FB4]  }
0x2c: {  	s7 =	sld [smem:$0x3FB5]  }
0x2d: {  	s3 =	simm.s32 $0x108;
	s8 =	sld [smem:$0x3FB6]  }
0x2e: {  	s3 =	simm.s32 @!p0 $0x1082;
	s9 =	sld [smem:$0x3FB7]  }
0x2f: {  	lr =	sadd.s32 s0, s3;
	s0 =	sld [smem:$0x3FAE]  }
0x30: {  	s3 =	sld [smem:$0x3FB1]  }
0x31: {  	[smem:$0x3FBA] =	sst s10  }
0x32: {  	s10 =	sld [smem:$0x3FB8];
	_ =	sdelay $0x3  }
0x33: {  	p0 =	seq.s32 s10, $0x1;
	s10 =	sld [smem:$0x3FBA];
	_ =	sdelay $0x3  }
0x34: {  	[smem:$0x3FBA] =	sst s10  }
0x35: {  	s10 =	sld [smem:$0x3FB9];
	_ =	sdelay $0x3  }
0x36: {  	p1 =	seq.s32 s10, $0x1;
	s10 =	sld [smem:$0x3FBA];
	_ =	sdelay $0x3  }
0x37: {  	[smem:$0x3FBA] =	sst s10  }
0x38: {  	s10 =	sld [smem:$0x3FBB]  }
0x39: {  	_ = 	snop;
	(pc) =	sbr.ind lr, $3  }
0x3a: {  	_ = 	snop  }
0x3b: {  	_ = 	snop  }
0x3c: {  	p2 =	seq.s32 s10, $0x1;
	s10 =	sld [smem:$0x3FBA]  }
0x3d: {  	_ =	shalt  }
0x3e: {  	_ =	shalt  }
0x3f: {  	_ =	shalt  }
0x40: {  	_ =	shalt  }
0x41: {  	_ =	shalt  }
0x42: {  	_ =	shalt  }
0x43: {  	_ =	shalt  }
0x44: {  	_ =	shalt  }
0x45: {  	_ =	shalt  }
0x46: {  	_ =	shalt  }
0x47: {  	_ =	shalt  }
0x48: {  	_ =	shalt  }
0x49: {  	_ =	shalt  }
0x4a: {  	_ =	shalt  }
0x4b: {  	_ =	shalt  }
0x4c: {  	_ =	shalt  }
0x4d: {  	_ =	shalt  }
0x4e: {  	_ =	shalt  }
0x4f: {  	_ =	shalt  }
0x50: {  	_ =	shalt  }
0x51: {  	_ =	shalt  }
0x52: {  	_ =	shalt  }
0x53: {  	_ =	shalt  }
0x54: {  	_ =	shalt  }
0x55: {  	_ =	shalt  }
0x56: {  	_ =	shalt  }
0x57: {  	_ =	shalt  }
0x58: {  	_ =	shalt  }
0x59: {  	_ =	shalt  }
0x5a: {  	_ =	shalt  }
0x5b: {  	_ =	shalt  }
0x5c: {  	_ =	shalt  }
0x5d: {  	_ =	shalt  }
0x5e: {  	_ =	shalt  }
0x5f: {  	_ =	shalt  }
0x60: {  	_ =	shalt  }
0x61: {  	_ =	shalt  }
0x62: {  	_ =	shalt  }
0x63: {  	_ =	shalt  }
0x64: {  	_ =	shalt  }
0x65: {  	_ =	shalt  }
0x66: {  	_ =	shalt  }
0x67: {  	_ =	shalt  }
0x68: {  	_ =	shalt  }
0x69: {  	_ =	shalt  }
0x6a: {  	_ =	shalt  }
0x6b: {  	_ =	shalt  }
0x6c: {  	_ =	shalt  }
0x6d: {  	_ =	shalt  }
0x6e: {  	_ =	shalt  }
0x6f: {  	_ =	shalt  }
0x70: {  	_ =	shalt  }
0x71: {  	_ =	shalt  }
0x72: {  	_ =	shalt  }
0x73: {  	_ =	shalt  }
0x74: {  	_ =	shalt  }
0x75: {  	_ =	shalt  }
0x76: {  	_ =	shalt  }
0x77: {  	_ =	shalt  }
0x78: {  	_ =	shalt  }
0x79: {  	_ =	shalt  }
0x7a: {  	_ =	shalt  }
0x7b: {  	_ =	shalt  }
0x7c: {  	_ =	shalt  }
0x7d: {  	_ =	shalt  }
0x7e: {  	_ =	shalt  }
0x7f: {  	_ =	shalt  }
0x80: {  	_ =	shalt  }
0x81: {  	_ =	shalt  }
0x82: {  	_ =	shalt  }
0x83: {  	_ =	shalt  }
0x84: {  	_ =	shalt  }
0x85: {  	_ =	shalt  }
0x86: {  	_ =	shalt  }
0x87: {  	_ =	shalt  }
.Lfunc_end0:
.L_simem_size_0:
called_computation.1_lowered:
.L_overlay_start_0:
0x88: {  	s2 =	sld [smem:$0x3FD9]  }
0x89: {  	s3 =	sld [smem:$0x3FFE];
	_ =	sdelay $0x1  }
0x8a: {  	s1 =	srdreg.scid  }
0x8b: {  	s0 =	sand.u32 $0x1, s1  }
0x8c: {  	s17 =	sshll.u32 s0, $0xA;
	s2 =	sadd.s32 s3, s2  }
0x8d: {  	s2 =	sadd.s32 s2, s17  }
0x8e: {  	[smem:$0x3FC6] =	sst s2  }
0x8f: {  	_ = 	snop  }
0x90: {  	s2 =	sld [smem:$0x3FD0];
	(tm) =	ssettm $0x1  }
0x91: {  	s18 =	sld [smem:$0x3FFB];
	_ =	sdelay $0x3  }
0x92: {  	_ =	strace s18  }
0x93: {  	s3 =	sld [smem:$0x3FFC];
	_ =	sdelay $0x3  }
0x94: {  	_ =	strace s3  }
0x95: {  	s3 =	sld [smem:$0x3FFD];
	_ =	sdelay $0x3  }
0x96: {  	_ =	strace s3  }
0x97: {  	_ =	strace $0x8FFFFFFF  }
0x98: {  	s19 =	sld [smem:$0x3FDB];
	_ =	sdelay $0x1  }
0x99: {  	s4 =	simm.s32 $_scs_section_size  }
0x9a: {  	s5 =	simm.s32 $_size__tile_overlayer_lowered;
	s6 =	simm.s32 $_tile_overlayer_lowered  }
0x9b: {  	s22 =	simm.s32 $0x1BFF;
	s21 =	sshll.u32 s6, $0x1;
	s3 =	sadd.s32 s4, s19  }
0x9c: {  	s7 =	simm.s32 $0x0;
	s20 =	sshll.u32 s5, $0x1;
	s5 =	sadd.s32 s21, s3  }
0x9d: {  	[timem:s7], [sflag:s22] =	dma.local [hbm:s5], s20  }
0x9e: {  	_ =	swait.ge [sflag:s22], s20  }
0x9f: {  	s4 =	ssub.s32 $0x0, s20;
	[sflag:s22] =	ssyncset.done $0x0  }
0xa0: {  	[sflag:s22] =	ssyncadd.s32 s4;
	_ =	sdelay $0x1  }
0xa1: {  	s23 =	simm.s32 $0x1B8B  }
0xa2: {  	_ =	swait.ge [sflag:s23], $0x1  }
0xa3: {  	[sflag:s23] =	ssyncset.done $0x0  }
0xa4: {  	s25 =	simm.s32 $0x1B8E;
	s24 =	sld [smem:$0x3FFE];
	[sflag:s23] =	ssyncadd.s32 $0xFFFFFFFF  }
0xa5: {  	s26 =	simm.s32 $execute0_lowered;
	[smem:$0x3FD2] =	sst s25  }
0xa6: {  	s5 =	sshll.u32 s26, $0x1;
	_ =	strace $0x80000046;
	[dreg:$0x1] =	wrdreg $0xFFFFFFFF  }
0xa7: {  	s28 =	simm.s32 $_size_execute0_lowered;
	s3 =	sadd.s32 s3, s5;
	[dreg:$0x0] =	wrdreg $0x0  }
0xa8: {  	s5 =	sshll.u32 s28, $0x1;
	[dreg:$0x2] =	wrdreg s3  }
0xa9: {  	[dreg:$0x3] =	wrdreg s5  }
0xaa: {  	[dreg:$0x4] =	wrdreg $0xC0  }
0xab: {  	_ =	task [dreg:s7], $0x5FFFF  }
0xac: {  	[dreg:$0x1] =	wrdreg $0xFFFFFFFF  }
0xad: {  	[dreg:$0x0] =	wrdreg $0x60  }
0xae: {  	[dreg:$0x2] =	wrdreg s24  }
0xaf: {  	[dreg:$0x3] =	wrdreg s2  }
0xb0: {  	[dreg:$0x4] =	wrdreg $0x9  }
0xb1: {  	_ =	task.clear_ibuf [dreg:s7], $0x5FFFF;
	_ =	strace $0x90000046  }
0xb2: {  	s29 =	simm.s32 $0x9;
	_ =	strace $0x80000048  }
0xb3: {  	_ =	swait.ge [sflag:s29], $0x1  }
0xb4: {  	[sflag:s29] =	ssyncadd.s32 $0xFFFFFFFF  }
0xb5: {  	_ =	strace $0x90000048  }
0xb6: {  	_ =	sfence  }
0xb7: {  	s30 =	sld [smem:$0x0];
	_ =	sdelay $0x2  }
0xb8: {  	s31 =	sshll.u32 s1, $0xD;
	s1 =	sshrl.u32 s1, $0x2  }
0xb9: {  	s3 =	sand.u32 $0x4000, s31;
	s1 =	sadd.s32 s1, s30  }
0xba: {  	s0 =	sor.u32 s3, s0;
	s1 =	sshll.u32 s1, $0x11  }
0xbb: {  	s0 =	sor.u32 s1, s0  }
0xbc: {  	s0 =	sadd.s32 $0x8F2B, s0  }
0xbd: {  	[sflag:s0] =	ssyncadd.remote.s32 $0x1  }
0xbe: {  	_ =	sfence.sel $0xFFFF  }
0xbf: {  	[dreg:$0x0] =	wrdreg $0xFFFFFFFF;
	(pc) =	sbr.abs _section_cstart, $3  }
0xc0: {  	[dreg:$0x1] =	wrdreg $0xFFFFFFFF  }
0xc1: {  	_ =	task.clear_ibuf [dreg:s7], $0x2FFFF;
	_ =	strace $0x9FFFFFFF  }
0xc2: {  	(tm) =	ssettm $0x7FFFFFFF  }
0xc3: {  	_ =	shalt  }
tec
execute0_lowered:
.L_overlay_start_1:
0x0: {  	(tag) =	ssettag $0x1  }
0x1: {  	s0 =	rddreg [dreg:$0x0]  }
0x2: {  	s1 =	srdreg.scid;
	s9 =	stileid.u32  }
0x3: {  	s2 =	rddreg [dreg:$0x1];
	s3 =	simm.s32 $0x0;
	s17 =	smul.u32 $0xC800, s9  }
0x4: {  	s29 =	simm.s32 $0x12400;
	s1 =	sand.u32 $0x1, s1;
	s21 =	smul.u32 $0x320000, s9  }
0x5: {  	s31 =	simm.s32 $0x14400;
	s4 =	sshll.u32 s9, $0x1;
	s19 =	smul.u32 $0x6400, s1  }
0x6: {  	s5 =	sor.u32 s1, s4;
	s7 =	ssub.s32 $0x2, s1;
	s1 =	smul.u32 $0x190000, s1  }
0x7: {  	s28 =	simm.s32 $0x1A400;
	[smem:$0x7FF] =	sst s3;
	s4 =	smul.u32 $0xC80, s5  }
0x8: {  	s30 =	simm.s32 $0x3;
	_ =	strace $0x80000047;
	s8 =	smul.u32 $0x190000, s5  }
0x9: {  	s15 =	sshrl.u32 s7, $0x1;
	s5 =	smul.u32 $0x32000, s5;
	s1 =	sadd.s32 s1, s21  }
0xa: {  	s21 =	simm.s32 $0x2;
	s6 =	sadd.s32 s4, s0;
	s4 =	sadd.s32 $0xF42E00, s0  }
0xb: {  	s0 =	ssub.s32 s7, s15;
	s16 =	sshrl.u32 s8, $0x3;
	s5 =	sadd.s32 s2, s5  }
0xc: {  	s7 =	sadd.s32 s19, s17;
	s14 =	sadd.s32 $0x18000, s1;
	s17 =	simm.s32 $0x6400  }
0xd: {  	s1 =	simm.s32 $0x1;
	s19 =	simm.s32 $0x16400;
	s6 =	sadd.s32 $0xA00, s6  }
0xe: {  	s18 =	sadd.s32 s2, s16;
	[dreg:$0x4] =	wrdreg s5;
	s24 =	sshll.u32 s7, $0x3  }
0xf: {  	s0 =	smax.u32 s0, $0x1;
	s16 =	simm.s32 $0x80;
	[dreg:$0x3] =	wrdreg s6  }
0x10: {  	s5 =	simm.s32 $0x5;
	s20 =	sadd.s32 $0x2E000, s18;
	[dreg:$0x9] =	wrdreg s0  }
0x11: {  	s7 =	simm.s32 $0x0;
	s22 =	sadd.s32 $0x2F000, s18;
	[dreg:$0x5] =	wrdreg s20  }
0x12: {  	s23 =	sadd.s32 $0x30000, s18;
	s6 =	sadd.s32 $0x31000, s18;
	[dreg:$0x6] =	wrdreg s22  }
0x13: {  	s25 =	sadd.s32 s24, s2;
	s18 =	simm.s32 $0x8400;
	[dreg:$0x7] =	wrdreg s23  }
0x14: {  	s24 =	simm.s32 $0xE400;
	s0 =	simm.s32 $0x1C400;
	[dreg:$0x8] =	wrdreg s6  }
0x15: {  	s26 =	sadd.s32 $0x2000, s25;
	s13 =	sadd.s32 $0x1000, s25;
	s20 =	simm.s32 $0xA400  }
0x16: {  	s22 =	simm.s32 $0xC400;
	s23 =	simm.s32 $0x18400;
	s25 =	simm.s32 $0x4  }
0x17: {  	s6 =	simm.s32 $0x6;
	[dreg:$0xa] =	wrdreg s26;
	s26 =	simm.s32 $0x10400  }
.LBB2_1:
0x18: {  	s8 =	rddreg [dreg:$0x3];
	s15 =	simm.s32 $0x7  }
0x19: {  	[tilespmem:s3], [sflag:$0x7] =	stream.linear.gather [hbm4b:s8+s3], $0x6400, $0x38;
	[tilespmem:$0x1E400] =	vst v63  }
0x1a: {  	_ =	swait.ge [sflag:s15], $0x6400  }
0x1b: {  	[sflag:s15] =	ssyncset.done $0x0  }
0x1c: {  	[sflag:s15] =	ssyncadd.s32 $0xFFFF9C00  }
0x1d: {  	[tilespmem:s17], [sflag:$0x1] =	stream.indirect.gather [hbm4b:s4+s16], $0x40, s3, s16, $0xb8;
	[tilespmem:$0x1E400] =	vst v63  }
0x1e: {  	_ = 	snop  }
0x1f: {  	[tilespmem:s18], [sflag:$0x1] =	stream.indirect.gather [hbm4b:s4+s16], $0x40, s16, s16, $0xb8;
	[tilespmem:$0x1E400] =	vst v63  }
0x20: {  	s9 =	simm.s32 $0x100  }
0x21: {  	[tilespmem:s20], [sflag:$0x1] =	stream.indirect.gather [hbm4b:s4+s16], $0x40, s9, s16, $0xb8;
	[tilespmem:$0x1E400] =	vst v63  }
0x22: {  	s10 =	simm.s32 $0x180  }
0x23: {  	[tilespmem:s22], [sflag:$0x1] =	stream.indirect.gather [hbm4b:s4+s16], $0x40, s10, s16, $0xb8;
	[tilespmem:$0x1E400] =	vst v63  }
0x24: {  	s11 =	simm.s32 $0x200  }
0x25: {  	[tilespmem:s24], [sflag:$0x2] =	stream.indirect.gather [hbm4b:s4+s16], $0x40, s11, s16, $0xb8;
	[tilespmem:$0x1E400] =	vst v63  }
0x26: {  	s12 =	simm.s32 $0x280  }
0x27: {  	[tilespmem:s26], [sflag:$0x2] =	stream.indirect.gather [hbm4b:s4+s16], $0x40, s12, s16, $0xb8;
	[tilespmem:$0x1E400] =	vst v63  }
0x28: {  	s15 =	simm.s32 $0x300  }
0x29: {  	[tilespmem:s29], [sflag:$0x2] =	stream.indirect.gather [hbm4b:s4+s16], $0x40, s15, s16, $0xb8;
	[tilespmem:$0x1E400] =	vst v63  }
0x2a: {  	s9 =	simm.s32 $0x380  }
0x2b: {  	[tilespmem:s31], [sflag:$0x2] =	stream.indirect.gather [hbm4b:s4+s16], $0x40, s9, s16, $0xb8;
	[tilespmem:$0x1E400] =	vst v63  }
0x2c: {  	_ =	swait.ge [sflag:s1], $0x2000  }
0x2d: {  	[sflag:s1] =	ssyncset.done $0x0  }
0x2e: {  	[sflag:s1] =	ssyncadd.s32 $0xFFFFE000  }
0x2f: {  	_ =	swait.ge [sflag:s1], $0x2000  }
0x30: {  	[sflag:s1] =	ssyncset.done $0x0  }
0x31: {  	[sflag:s1] =	ssyncadd.s32 $0xFFFFE000  }
0x32: {  	_ =	swait.ge [sflag:s1], $0x2000  }
0x33: {  	[sflag:s1] =	ssyncset.done $0x0  }
0x34: {  	[sflag:s1] =	ssyncadd.s32 $0xFFFFE000  }
0x35: {  	_ =	swait.ge [sflag:s1], $0x2000  }
0x36: {  	[sflag:s1] =	ssyncset.done $0x0  }
0x37: {  	s10 =	rddreg [dreg:$0x4];
	[sflag:s1] =	ssyncadd.s32 $0xFFFFE000  }
0x38: {  	[hbm4b:s10+s3] =	stream.linear.scatter [tilespmem:s17], [sflag:$0x4], $0x8000, $0x38;
	[tilespmem:$0x1E400] =	vst v63  }
0x39: {  	s11 =	simm.s32 $0x400  }
0x3a: {  	[tilespmem:s19], [sflag:$0x3] =	stream.indirect.gather [hbm4b:s4+s16], $0x40, s11, s16, $0xb8;
	[tilespmem:$0x1E400] =	vst v63  }
0x3b: {  	s12 =	simm.s32 $0x480  }
0x3c: {  	[tilespmem:s23], [sflag:$0x3] =	stream.indirect.gather [hbm4b:s4+s16], $0x40, s12, s16, $0xb8;
	[tilespmem:$0x1E400] =	vst v63  }
0x3d: {  	s15 =	simm.s32 $0x500  }
0x3e: {  	[tilespmem:s28], [sflag:$0x3] =	stream.indirect.gather [hbm4b:s4+s16], $0x40, s15, s16, $0xb8;
	[tilespmem:$0x1E400] =	vst v63  }
0x3f: {  	s9 =	simm.s32 $0x580  }
0x40: {  	[tilespmem:s0], [sflag:$0x3] =	stream.indirect.gather [hbm4b:s4+s16], $0x40, s9, s16, $0xb8;
	[tilespmem:$0x1E400] =	vst v63  }
0x41: {  	_ =	swait.ge [sflag:s21], $0x2000  }
0x42: {  	[sflag:s21] =	ssyncset.done $0x0  }
0x43: {  	[sflag:s21] =	ssyncadd.s32 $0xFFFFE000  }
0x44: {  	_ =	swait.ge [sflag:s21], $0x2000  }
0x45: {  	[sflag:s21] =	ssyncset.done $0x0  }
0x46: {  	[sflag:s21] =	ssyncadd.s32 $0xFFFFE000  }
0x47: {  	_ =	swait.ge [sflag:s21], $0x2000  }
0x48: {  	[sflag:s21] =	ssyncset.done $0x0  }
0x49: {  	[sflag:s21] =	ssyncadd.s32 $0xFFFFE000  }
0x4a: {  	_ =	swait.ge [sflag:s21], $0x2000  }
0x4b: {  	[sflag:s21] =	ssyncset.done $0x0  }
0x4c: {  	[sflag:s21] =	ssyncadd.s32 $0xFFFFE000  }
0x4d: {  	[hbm4b:s13+s3] =	stream.linear.scatter [tilespmem:s24], [sflag:$0x5], $0x8000, $0x38;
	[tilespmem:$0x1E400] =	vst v63  }
0x4e: {  	_ =	swait.ge [sflag:s25], $0x8000  }
0x4f: {  	[sflag:s25] =	ssyncset.done $0x0  }
0x50: {  	s10 =	simm.s32 $0x600;
	[sflag:s25] =	ssyncadd.s32 $0xFFFF8000  }
0x51: {  	[tilespmem:s17], [sflag:$0x1] =	stream.indirect.gather [hbm4b:s4+s16], $0x40, s10, s16, $0xb8;
	[tilespmem:$0x1E400] =	vst v63  }
0x52: {  	s11 =	simm.s32 $0x680  }
0x53: {  	[tilespmem:s18], [sflag:$0x1] =	stream.indirect.gather [hbm4b:s4+s16], $0x40, s11, s16, $0xb8;
	[tilespmem:$0x1E400] =	vst v63  }
0x54: {  	s12 =	simm.s32 $0x700  }
0x55: {  	[tilespmem:s20], [sflag:$0x1] =	stream.indirect.gather [hbm4b:s4+s16], $0x40, s12, s16, $0xb8;
	[tilespmem:$0x1E400] =	vst v63  }
0x56: {  	s15 =	simm.s32 $0x780  }
0x57: {  	[tilespmem:s22], [sflag:$0x1] =	stream.indirect.gather [hbm4b:s4+s16], $0x40, s15, s16, $0xb8;
	[tilespmem:$0x1E400] =	vst v63  }
0x58: {  	_ =	swait.ge [sflag:s30], $0x2000  }
0x59: {  	[sflag:s30] =	ssyncset.done $0x0  }
0x5a: {  	[sflag:s30] =	ssyncadd.s32 $0xFFFFE000  }
0x5b: {  	_ =	swait.ge [sflag:s30], $0x2000  }
0x5c: {  	[sflag:s30] =	ssyncset.done $0x0  }
0x5d: {  	[sflag:s30] =	ssyncadd.s32 $0xFFFFE000  }
0x5e: {  	_ =	swait.ge [sflag:s30], $0x2000  }
0x5f: {  	[sflag:s30] =	ssyncset.done $0x0  }
0x60: {  	[sflag:s30] =	ssyncadd.s32 $0xFFFFE000  }
0x61: {  	_ =	swait.ge [sflag:s30], $0x2000  }
0x62: {  	[sflag:s30] =	ssyncset.done $0x0  }
0x63: {  	s10 =	rddreg [dreg:$0xa];
	[sflag:s30] =	ssyncadd.s32 $0xFFFFE000  }
0x64: {  	[hbm4b:s10+s3] =	stream.linear.scatter [tilespmem:s19], [sflag:$0x6], $0x8000, $0x38;
	[tilespmem:$0x1E400] =	vst v63  }
0x65: {  	_ =	swait.ge [sflag:s5], $0x8000  }
0x66: {  	[sflag:s5] =	ssyncset.done $0x0  }
0x67: {  	s9 =	simm.s32 $0x800;
	[sflag:s5] =	ssyncadd.s32 $0xFFFF8000  }
0x68: {  	[tilespmem:s24], [sflag:$0x2] =	stream.indirect.gather [hbm4b:s4+s16], $0x40, s9, s16, $0xb8;
	[tilespmem:$0x1E400] =	vst v63  }
0x69: {  	s11 =	simm.s32 $0x880  }
0x6a: {  	[tilespmem:s26], [sflag:$0x2] =	stream.indirect.gather [hbm4b:s4+s16], $0x40, s11, s16, $0xb8;
	[tilespmem:$0x1E400] =	vst v63  }
0x6b: {  	s12 =	simm.s32 $0x900  }
0x6c: {  	[tilespmem:s29], [sflag:$0x2] =	stream.indirect.gather [hbm4b:s4+s16], $0x40, s12, s16, $0xb8;
	[tilespmem:$0x1E400] =	vst v63  }
0x6d: {  	s15 =	simm.s32 $0x980  }
0x6e: {  	[tilespmem:s31], [sflag:$0x2] =	stream.indirect.gather [hbm4b:s4+s16], $0x40, s15, s16, $0xb8;
	[tilespmem:$0x1E400] =	vst v63  }
0x6f: {  	_ =	swait.ge [sflag:s1], $0x2000  }
0x70: {  	[sflag:s1] =	ssyncset.done $0x0  }
0x71: {  	[sflag:s1] =	ssyncadd.s32 $0xFFFFE000  }
0x72: {  	_ =	swait.ge [sflag:s1], $0x2000  }
0x73: {  	[sflag:s1] =	ssyncset.done $0x0  }
0x74: {  	[sflag:s1] =	ssyncadd.s32 $0xFFFFE000  }
0x75: {  	_ =	swait.ge [sflag:s1], $0x2000  }
0x76: {  	[sflag:s1] =	ssyncset.done $0x0  }
0x77: {  	[sflag:s1] =	ssyncadd.s32 $0xFFFFE000  }
0x78: {  	_ =	swait.ge [sflag:s1], $0x2000  }
0x79: {  	s9 =	sshrl.u32 s14, $0x3;
	[sflag:s1] =	ssyncset.done $0x0  }
0x7a: {  	s8 =	sadd.s32 s2, s9;
	[sflag:s1] =	ssyncadd.s32 $0xFFFFE000  }
0x7b: {  	[hbm4b:s8+s3] =	stream.linear.scatter [tilespmem:s17], [sflag:$0x4], $0x8000, $0x38;
	[tilespmem:$0x1E400] =	vst v63  }
0x7c: {  	_ =	swait.ge [sflag:s6], $0x8000  }
0x7d: {  	[sflag:s6] =	ssyncset.done $0x0  }
0x7e: {  	s11 =	simm.s32 $0xA00;
	[sflag:s6] =	ssyncadd.s32 $0xFFFF8000  }
0x7f: {  	[tilespmem:s19], [sflag:$0x3] =	stream.indirect.gather [hbm4b:s4+s16], $0x40, s11, s16, $0xb8;
	[tilespmem:$0x1E400] =	vst v63  }
0x80: {  	s12 =	simm.s32 $0xA80  }
0x81: {  	[tilespmem:s23], [sflag:$0x3] =	stream.indirect.gather [hbm4b:s4+s16], $0x40, s12, s16, $0xb8;
	[tilespmem:$0x1E400] =	vst v63  }
0x82: {  	s10 =	sadd.s32 $0x3000, s10;
	s9 =	sadd.s32 $0x18000, s14;
	s15 =	simm.s32 $0xB00  }
0x83: {  	[tilespmem:s28], [sflag:$0x3] =	stream.indirect.gather [hbm4b:s4+s16], $0x40, s15, s16, $0xb8;
	[tilespmem:$0x1E400] =	vst v63  }
0x84: {  	s8 =	simm.s32 $0x1800;
	s11 =	sadd.s32 $0x3000, s13;
	s15 =	simm.s32 $0xB80  }
.LBB2_2:
0x85: {  	[tilespmem:s0], [sflag:$0x3] =	stream.indirect.gather [hbm4b:s4+s16], $0x40, s15, s16, $0xb8;
	[tilespmem:$0x1E400] =	vst v63  }
0x86: {  	s15 =	smov.u32 s8  }
0x87: {  	p0 =	sne.s32 s8, $0x15000;
	s8 =	sadd.s32 $0x1800, s8;
	_ =	swait.ge [sflag:s21], $0x2000  }
0x88: {  	[sflag:s21] =	ssyncset.done $0x0  }
0x89: {  	[sflag:s21] =	ssyncadd.s32 $0xFFFFE000  }
0x8a: {  	_ =	swait.ge [sflag:s21], $0x2000  }
0x8b: {  	[sflag:s21] =	ssyncset.done $0x0  }
0x8c: {  	[sflag:s21] =	ssyncadd.s32 $0xFFFFE000  }
0x8d: {  	_ =	swait.ge [sflag:s21], $0x2000  }
0x8e: {  	[sflag:s21] =	ssyncset.done $0x0  }
0x8f: {  	[sflag:s21] =	ssyncadd.s32 $0xFFFFE000  }
0x90: {  	_ =	swait.ge [sflag:s21], $0x2000  }
0x91: {  	[sflag:s21] =	ssyncset.done $0x0  }
0x92: {  	[sflag:s21] =	ssyncadd.s32 $0xFFFFE000  }
0x93: {  	[hbm4b:s11+s3] =	stream.linear.scatter [tilespmem:s24], [sflag:$0x5], $0x8000, $0x38;
	[tilespmem:$0x1E400] =	vst v63  }
0x94: {  	_ =	swait.ge [sflag:s25], $0x8000  }
0x95: {  	s15 =	sshra.s32 s15, $0x2;
	[sflag:s25] =	ssyncset.done $0x0  }
0x96: {  	s12 =	sadd.s32 $0x600, s15;
	[sflag:s25] =	ssyncadd.s32 $0xFFFF8000  }
0x97: {  	[tilespmem:s17], [sflag:$0x1] =	stream.indirect.gather [hbm4b:s4+s16], $0x40, s12, s16, $0xb8;
	[tilespmem:$0x1E400] =	vst v63  }
0x98: {  	s12 =	sadd.s32 $0x680, s15  }
0x99: {  	[tilespmem:s18], [sflag:$0x1] =	stream.indirect.gather [hbm4b:s4+s16], $0x40, s12, s16, $0xb8;
	[tilespmem:$0x1E400] =	vst v63  }
0x9a: {  	s12 =	sadd.s32 $0x700, s15  }
0x9b: {  	[tilespmem:s20], [sflag:$0x1] =	stream.indirect.gather [hbm4b:s4+s16], $0x40, s12, s16, $0xb8;
	[tilespmem:$0x1E400] =	vst v63  }
0x9c: {  	s12 =	sadd.s32 $0x780, s15  }
0x9d: {  	[tilespmem:s22], [sflag:$0x1] =	stream.indirect.gather [hbm4b:s4+s16], $0x40, s12, s16, $0xb8;
	[tilespmem:$0x1E400] =	vst v63  }
0x9e: {  	_ =	swait.ge [sflag:s30], $0x2000  }
0x9f: {  	[sflag:s30] =	ssyncset.done $0x0  }
0xa0: {  	[sflag:s30] =	ssyncadd.s32 $0xFFFFE000  }
0xa1: {  	_ =	swait.ge [sflag:s30], $0x2000  }
0xa2: {  	[sflag:s30] =	ssyncset.done $0x0  }
0xa3: {  	[sflag:s30] =	ssyncadd.s32 $0xFFFFE000  }
0xa4: {  	_ =	swait.ge [sflag:s30], $0x2000  }
0xa5: {  	[sflag:s30] =	ssyncset.done $0x0  }
0xa6: {  	[sflag:s30] =	ssyncadd.s32 $0xFFFFE000  }
0xa7: {  	_ =	swait.ge [sflag:s30], $0x2000  }
0xa8: {  	[sflag:s30] =	ssyncset.done $0x0  }
0xa9: {  	[sflag:s30] =	ssyncadd.s32 $0xFFFFE000  }
0xaa: {  	[hbm4b:s10+s3] =	stream.linear.scatter [tilespmem:s19], [sflag:$0x6], $0x8000, $0x38;
	[tilespmem:$0x1E400] =	vst v63  }
0xab: {  	_ =	swait.ge [sflag:s5], $0x8000  }
0xac: {  	[sflag:s5] =	ssyncset.done $0x0  }
0xad: {  	s12 =	sadd.s32 $0x800, s15;
	[sflag:s5] =	ssyncadd.s32 $0xFFFF8000  }
0xae: {  	[tilespmem:s24], [sflag:$0x2] =	stream.indirect.gather [hbm4b:s4+s16], $0x40, s12, s16, $0xb8;
	[tilespmem:$0x1E400] =	vst v63  }
0xaf: {  	s12 =	sadd.s32 $0x880, s15  }
0xb0: {  	[tilespmem:s26], [sflag:$0x2] =	stream.indirect.gather [hbm4b:s4+s16], $0x40, s12, s16, $0xb8;
	[tilespmem:$0x1E400] =	vst v63  }
0xb1: {  	s12 =	sadd.s32 $0x900, s15  }
0xb2: {  	[tilespmem:s29], [sflag:$0x2] =	stream.indirect.gather [hbm4b:s4+s16], $0x40, s12, s16, $0xb8;
	[tilespmem:$0x1E400] =	vst v63  }
0xb3: {  	s12 =	sadd.s32 $0x980, s15  }
0xb4: {  	[tilespmem:s31], [sflag:$0x2] =	stream.indirect.gather [hbm4b:s4+s16], $0x40, s12, s16, $0xb8;
	[tilespmem:$0x1E400] =	vst v63  }
0xb5: {  	_ =	swait.ge [sflag:s1], $0x2000  }
0xb6: {  	[sflag:s1] =	ssyncset.done $0x0  }
0xb7: {  	[sflag:s1] =	ssyncadd.s32 $0xFFFFE000  }
0xb8: {  	_ =	swait.ge [sflag:s1], $0x2000  }
0xb9: {  	[sflag:s1] =	ssyncset.done $0x0  }
0xba: {  	[sflag:s1] =	ssyncadd.s32 $0xFFFFE000  }
0xbb: {  	_ =	swait.ge [sflag:s1], $0x2000  }
0xbc: {  	[sflag:s1] =	ssyncset.done $0x0  }
0xbd: {  	[sflag:s1] =	ssyncadd.s32 $0xFFFFE000  }
0xbe: {  	_ =	swait.ge [sflag:s1], $0x2000  }
0xbf: {  	s12 =	sshrl.u32 s9, $0x3;
	[sflag:s1] =	ssyncset.done $0x0  }
0xc0: {  	s12 =	sadd.s32 s2, s12;
	[sflag:s1] =	ssyncadd.s32 $0xFFFFE000  }
0xc1: {  	[hbm4b:s12+s3] =	stream.linear.scatter [tilespmem:s17], [sflag:$0x4], $0x8000, $0x38;
	[tilespmem:$0x1E400] =	vst v63  }
0xc2: {  	_ =	swait.ge [sflag:s6], $0x8000  }
0xc3: {  	[sflag:s6] =	ssyncset.done $0x0  }
0xc4: {  	s12 =	sadd.s32 $0xA00, s15;
	[sflag:s6] =	ssyncadd.s32 $0xFFFF8000  }
0xc5: {  	[tilespmem:s19], [sflag:$0x3] =	stream.indirect.gather [hbm4b:s4+s16], $0x40, s12, s16, $0xb8;
	[tilespmem:$0x1E400] =	vst v63  }
.Ltmp0:
0xc6: {  	s12 =	sadd.s32 $0xA80, s15;
	(pc) =	sbr.rel @p0 .LBB2_2-.Ltmp0, $4  }
0xc7: {  	[tilespmem:s23], [sflag:$0x3] =	stream.indirect.gather [hbm4b:s4+s16], $0x40, s12, s16, $0xb8;
	[tilespmem:$0x1E400] =	vst v63  }
0xc8: {  	s9 =	sadd.s32 $0x18000, s9;
	s12 =	sadd.s32 $0xB00, s15  }
0xc9: {  	[tilespmem:s28], [sflag:$0x3] =	stream.indirect.gather [hbm4b:s4+s16], $0x40, s12, s16, $0xb8;
	[tilespmem:$0x1E400] =	vst v63  }
0xca: {  	s11 =	sadd.s32 $0x3000, s11;
	s10 =	sadd.s32 $0x3000, s10;
	s15 =	sadd.s32 $0xB80, s15  }
0xcb: {  	[tilespmem:s0], [sflag:$0x3] =	stream.indirect.gather [hbm4b:s4+s16], $0x40, s15, s16, $0xb8;
	[tilespmem:$0x1E400] =	vst v63  }
0xcc: {  	_ =	swait.ge [sflag:s21], $0x2000  }
0xcd: {  	[sflag:s21] =	ssyncset.done $0x0  }
0xce: {  	[sflag:s21] =	ssyncadd.s32 $0xFFFFE000  }
0xcf: {  	_ =	swait.ge [sflag:s21], $0x2000  }
0xd0: {  	[sflag:s21] =	ssyncset.done $0x0  }
0xd1: {  	[sflag:s21] =	ssyncadd.s32 $0xFFFFE000  }
0xd2: {  	_ =	swait.ge [sflag:s21], $0x2000  }
0xd3: {  	[sflag:s21] =	ssyncset.done $0x0  }
0xd4: {  	[sflag:s21] =	ssyncadd.s32 $0xFFFFE000  }
0xd5: {  	_ =	swait.ge [sflag:s21], $0x2000  }
0xd6: {  	[sflag:s21] =	ssyncset.done $0x0  }
0xd7: {  	s8 =	rddreg [dreg:$0x5];
	[sflag:s21] =	ssyncadd.s32 $0xFFFFE000  }
0xd8: {  	[hbm4b:s8+s3] =	stream.linear.scatter [tilespmem:s24], [sflag:$0x5], $0x8000, $0x38;
	[tilespmem:$0x1E400] =	vst v63  }
0xd9: {  	_ =	swait.ge [sflag:s25], $0x8000  }
0xda: {  	[sflag:s25] =	ssyncset.done $0x0  }
0xdb: {  	s12 =	simm.s32 $0x6000;
	[sflag:s25] =	ssyncadd.s32 $0xFFFF8000  }
0xdc: {  	[tilespmem:s17], [sflag:$0x1] =	stream.indirect.gather [hbm4b:s4+s16], $0x40, s12, s16, $0xb8;
	[tilespmem:$0x1E400] =	vst v63  }
0xdd: {  	s15 =	simm.s32 $0x6080  }
0xde: {  	[tilespmem:s18], [sflag:$0x1] =	stream.indirect.gather [hbm4b:s4+s16], $0x40, s15, s16, $0xb8;
	[tilespmem:$0x1E400] =	vst v63  }
0xdf: {  	s9 =	simm.s32 $0x6100  }
0xe0: {  	[tilespmem:s20], [sflag:$0x1] =	stream.indirect.gather [hbm4b:s4+s16], $0x40, s9, s16, $0xb8;
	[tilespmem:$0x1E400] =	vst v63  }
0xe1: {  	s10 =	simm.s32 $0x6180  }
0xe2: {  	[tilespmem:s22], [sflag:$0x1] =	stream.indirect.gather [hbm4b:s4+s16], $0x40, s10, s16, $0xb8;
	[tilespmem:$0x1E400] =	vst v63  }
0xe3: {  	_ =	swait.ge [sflag:s30], $0x2000  }
0xe4: {  	[sflag:s30] =	ssyncset.done $0x0  }
0xe5: {  	[sflag:s30] =	ssyncadd.s32 $0xFFFFE000  }
0xe6: {  	_ =	swait.ge [sflag:s30], $0x2000  }
0xe7: {  	[sflag:s30] =	ssyncset.done $0x0  }
0xe8: {  	[sflag:s30] =	ssyncadd.s32 $0xFFFFE000  }
0xe9: {  	_ =	swait.ge [sflag:s30], $0x2000  }
0xea: {  	[sflag:s30] =	ssyncset.done $0x0  }
0xeb: {  	[sflag:s30] =	ssyncadd.s32 $0xFFFFE000  }
0xec: {  	_ =	swait.ge [sflag:s30], $0x2000  }
0xed: {  	[sflag:s30] =	ssyncset.done $0x0  }
0xee: {  	s11 =	rddreg [dreg:$0x6];
	[sflag:s30] =	ssyncadd.s32 $0xFFFFE000  }
0xef: {  	[hbm4b:s11+s3] =	stream.linear.scatter [tilespmem:s19], [sflag:$0x6], $0x8000, $0x38;
	[tilespmem:$0x1E400] =	vst v63  }
0xf0: {  	_ =	swait.ge [sflag:s5], $0x8000  }
0xf1: {  	[sflag:s5] =	ssyncset.done $0x0  }
0xf2: {  	s12 =	simm.s32 $0x6200;
	[sflag:s5] =	ssyncadd.s32 $0xFFFF8000  }
0xf3: {  	[tilespmem:s24], [sflag:$0x2] =	stream.indirect.gather [hbm4b:s4+s16], $0x40, s12, s16, $0xb8;
	[tilespmem:$0x1E400] =	vst v63  }
0xf4: {  	s15 =	simm.s32 $0x6280  }
0xf5: {  	[tilespmem:s26], [sflag:$0x2] =	stream.indirect.gather [hbm4b:s4+s16], $0x40, s15, s16, $0xb8;
	[tilespmem:$0x1E400] =	vst v63  }
0xf6: {  	s9 =	simm.s32 $0x6300  }
0xf7: {  	[tilespmem:s29], [sflag:$0x2] =	stream.indirect.gather [hbm4b:s4+s16], $0x40, s9, s16, $0xb8;
	[tilespmem:$0x1E400] =	vst v63  }
0xf8: {  	s10 =	simm.s32 $0x6380  }
0xf9: {  	[tilespmem:s31], [sflag:$0x2] =	stream.indirect.gather [hbm4b:s4+s16], $0x40, s10, s16, $0xb8;
	[tilespmem:$0x1E400] =	vst v63  }
0xfa: {  	_ =	swait.ge [sflag:s1], $0x2000  }
0xfb: {  	[sflag:s1] =	ssyncset.done $0x0  }
0xfc: {  	[sflag:s1] =	ssyncadd.s32 $0xFFFFE000  }
0xfd: {  	_ =	swait.ge [sflag:s1], $0x2000  }
0xfe: {  	[sflag:s1] =	ssyncset.done $0x0  }
0xff: {  	[sflag:s1] =	ssyncadd.s32 $0xFFFFE000  }
0x100: {  	_ =	swait.ge [sflag:s1], $0x2000  }
0x101: {  	[sflag:s1] =	ssyncset.done $0x0  }
0x102: {  	[sflag:s1] =	ssyncadd.s32 $0xFFFFE000  }
0x103: {  	_ =	swait.ge [sflag:s1], $0x2000  }
0x104: {  	[sflag:s1] =	ssyncset.done $0x0  }
0x105: {  	s11 =	rddreg [dreg:$0x7];
	[sflag:s1] =	ssyncadd.s32 $0xFFFFE000  }
0x106: {  	[hbm4b:s11+s3] =	stream.linear.scatter [tilespmem:s17], [sflag:$0x4], $0x8000, $0x38;
	[tilespmem:$0x1E400] =	vst v63  }
0x107: {  	_ =	swait.ge [sflag:s21], $0x2000  }
0x108: {  	[sflag:s21] =	ssyncset.done $0x0  }
0x109: {  	[sflag:s21] =	ssyncadd.s32 $0xFFFFE000  }
0x10a: {  	_ =	swait.ge [sflag:s21], $0x2000  }
0x10b: {  	[sflag:s21] =	ssyncset.done $0x0  }
0x10c: {  	[sflag:s21] =	ssyncadd.s32 $0xFFFFE000  }
0x10d: {  	_ =	swait.ge [sflag:s21], $0x2000  }
0x10e: {  	[sflag:s21] =	ssyncset.done $0x0  }
0x10f: {  	[sflag:s21] =	ssyncadd.s32 $0xFFFFE000  }
0x110: {  	_ =	swait.ge [sflag:s21], $0x2000  }
0x111: {  	[sflag:s21] =	ssyncset.done $0x0  }
0x112: {  	s12 =	rddreg [dreg:$0x8];
	[sflag:s21] =	ssyncadd.s32 $0xFFFFE000  }
0x113: {  	[hbm4b:s12+s3] =	stream.linear.scatter [tilespmem:s24], [sflag:$0x5], $0x8000, $0x38;
	[tilespmem:$0x1E400] =	vst v63  }
0x114: {  	_ =	swait.ge [sflag:s25], $0x8000  }
0x115: {  	[sflag:s25] =	ssyncset.done $0x0  }
0x116: {  	[sflag:s25] =	ssyncadd.s32 $0xFFFF8000  }
0x117: {  	_ =	swait.ge [sflag:s5], $0x8000  }
0x118: {  	[sflag:s5] =	ssyncset.done $0x0  }
0x119: {  	[sflag:s5] =	ssyncadd.s32 $0xFFFF8000  }
0x11a: {  	_ =	swait.ge [sflag:s6], $0x8000  }
0x11b: {  	s7 =	sadd.s32 $0x1, s7;
	s15 =	rddreg [dreg:$0x9]  }
0x11c: {  	p0 =	sne.s32 s7, s15  }
.Ltmp1:
0x11d: {  	_ = 	snop;
	(pc) =	sbr.rel @p0 .LBB2_1-.Ltmp1, $3  }
0x11e: {  	_ =	sdelay $0x1  }
0x11f: {  	[sflag:s6] =	ssyncset.done $0x0  }
0x120: {  	[sflag:s6] =	ssyncadd.s32 $0xFFFF8000  }
0x121: {  	_ =	sfence.sel $0x180000  }
0x122: {  	[bflag:$0x0] =	sbarrier.arrive $0xFFFF  }
0x123: {  	_ =	strace $0x90000047  }
0x124: {  	s0 =	stileid.u32;
	[bflag:$0x2] =	sbarrier.arrive $0xFFFF  }
0x125: {  	p0 =	sne.s32 s0, $0x0;
	s0 =	rddreg [dreg:$0x2]  }
0x126: {  	s0 =	sadd.s32 @!p0 $0x100000, s0  }
0x127: {  	[sflag:s0] =	ssyncadd.tile.s32 @!p0 $0x1;
	_ =	shalt  }
.Lfunc_end2:
_tile_overlayer_lowered:
.L_overlay_start_2:
0x128: {  	(tag) =	ssettag $0x2  }
0x129: {  	s0 =	rddreg [dreg:$0x0];
	s2 =	stileid.u32  }
0x12a: {  	s1 =	rddreg [dreg:$0x1];
	p0 =	sne.s32 s2, $0x0  }
0x12b: {  	s3 =	rddreg [dreg:$0x2];
	[bflag:$0x3] =	sbarrier.arrive $0xFFFF;
	s2 =	simm.s32 @!p0 $0x1C07  }
0x12c: {  	[timem:s3], [sflag:s2] =	dma.local @!p0 [hbm:s0], s1  }
0x12d: {  	s0 =	simm.s32 @!p0 $0x7  }
0x12e: {  	_ =	swait.ge @!p0 [sflag:s0], s1  }
0x12f: {  	s1 =	ssub.s32 @!p0 $0x0, s1;
	[sflag:s0] =	ssyncset.done @!p0 $0x0  }
0x130: {  	[sflag:s0] =	ssyncadd.s32 @!p0 s1  }
0x131: {  	[bflag:$0x3] =	sbarrier.arrive $0xFFFF  }
0x132: {  	_ =	shalt  }

// kernel: sparse-core-data-format-call.cloned.1.call-start
scs
called_computation_lowered:
.L_overlay_start_0:
0x0: {  	s2 =	sld [smem:$0x3FD9]  }
0x1: {  	s3 =	sld [smem:$0x3FFE];
	_ =	sdelay $0x1  }
0x2: {  	s1 =	srdreg.scid  }
0x3: {  	s0 =	sand.u32 $0x1, s1  }
0x4: {  	s18 =	sshll.u32 s0, $0xA;
	s2 =	sadd.s32 s3, s2  }
0x5: {  	s2 =	sadd.s32 s2, s18  }
0x6: {  	[smem:$0x3FC6] =	sst s2  }
0x7: {  	_ = 	snop  }
0x8: {  	s2 =	sld [smem:$0x3FD0];
	(tm) =	ssettm $0x1  }
0x9: {  	s19 =	sld [smem:$0x3FFB];
	_ =	sdelay $0x3  }
0xa: {  	_ =	strace s19  }
0xb: {  	s3 =	sld [smem:$0x3FFC];
	_ =	sdelay $0x3  }
0xc: {  	_ =	strace s3  }
0xd: {  	s3 =	sld [smem:$0x3FFD];
	_ =	sdelay $0x3  }
0xe: {  	_ =	strace s3  }
0xf: {  	_ =	strace $0x8FFFFFFF  }
0x10: {  	s20 =	sld [smem:$0x3FDB];
	_ =	sdelay $0x1  }
0x11: {  	s4 =	simm.s32 $_scs_section_size  }
0x12: {  	s5 =	simm.s32 $_size__tile_overlayer_lowered;
	s6 =	simm.s32 $_tile_overlayer_lowered  }
0x13: {  	s23 =	simm.s32 $0x1BFF;
	s22 =	sshll.u32 s6, $0x1;
	s3 =	sadd.s32 s4, s20  }
0x14: {  	s7 =	simm.s32 $0x0;
	s21 =	sshll.u32 s5, $0x1;
	s5 =	sadd.s32 s22, s3  }
0x15: {  	[timem:s7], [sflag:s23] =	dma.local [hbm:s5], s21  }
0x16: {  	_ =	swait.ge [sflag:s23], s21  }
0x17: {  	s4 =	ssub.s32 $0x0, s21;
	[sflag:s23] =	ssyncset.done $0x0  }
0x18: {  	[sflag:s23] =	ssyncadd.s32 s4;
	_ =	sdelay $0x1  }
0x19: {  	s24 =	simm.s32 $0x1B8B  }
0x1a: {  	_ =	swait.ge [sflag:s24], $0x1  }
0x1b: {  	[sflag:s24] =	ssyncset.done $0x0  }
0x1c: {  	s26 =	simm.s32 $0x1B8E;
	s25 =	sld [smem:$0x3FFE];
	[sflag:s24] =	ssyncadd.s32 $0xFFFFFFFF  }
0x1d: {  	s27 =	simm.s32 $execute0_lowered;
	[smem:$0x3FD2] =	sst s26  }
0x1e: {  	s5 =	sshll.u32 s27, $0x1;
	_ =	strace $0x80000049;
	[dreg:$0x1] =	wrdreg $0xFFFFFFFF  }
0x1f: {  	s28 =	simm.s32 $_size_execute0_lowered;
	s3 =	sadd.s32 s3, s5;
	[dreg:$0x0] =	wrdreg $0x0  }
0x20: {  	s5 =	sshll.u32 s28, $0x1;
	[dreg:$0x2] =	wrdreg s3  }
0x21: {  	[dreg:$0x3] =	wrdreg s5  }
0x22: {  	[dreg:$0x4] =	wrdreg $0xC0  }
0x23: {  	_ =	task [dreg:s7], $0x5FFFF  }
0x24: {  	[dreg:$0x1] =	wrdreg $0xFFFFFFFF  }
0x25: {  	[dreg:$0x0] =	wrdreg $0x60  }
0x26: {  	[dreg:$0x2] =	wrdreg s25  }
0x27: {  	[dreg:$0x3] =	wrdreg s2  }
0x28: {  	[dreg:$0x4] =	wrdreg $0x9  }
0x29: {  	_ =	task.clear_ibuf [dreg:s7], $0x5FFFF;
	_ =	strace $0x90000049  }
0x2a: {  	s29 =	simm.s32 $0x9;
	_ =	strace $0x8000004B  }
0x2b: {  	_ =	swait.ge [sflag:s29], $0x1  }
0x2c: {  	[sflag:s29] =	ssyncadd.s32 $0xFFFFFFFF  }
0x2d: {  	_ =	strace $0x9000004B  }
0x2e: {  	_ =	sfence  }
0x2f: {  	s30 =	sld [smem:$0x0];
	_ =	sdelay $0x2  }
0x30: {  	s31 =	sshll.u32 s1, $0xD;
	s1 =	sshrl.u32 s1, $0x2  }
0x31: {  	s3 =	sand.u32 $0x4000, s31;
	s1 =	sadd.s32 s1, s30  }
0x32: {  	s0 =	sor.u32 s3, s0;
	s1 =	sshll.u32 s1, $0x11  }
0x33: {  	s0 =	sor.u32 s1, s0  }
0x34: {  	s0 =	sadd.s32 $0x8F2B, s0  }
0x35: {  	[sflag:s0] =	ssyncadd.remote.s32 $0x1  }
0x36: {  	_ =	sfence.sel $0xFFFF  }
0x37: {  	[dreg:$0x0] =	wrdreg $0xFFFFFFFF;
	(pc) =	sbr.abs _section_cstart, $3  }
0x38: {  	[dreg:$0x1] =	wrdreg $0xFFFFFFFF  }
0x39: {  	_ =	task.clear_ibuf [dreg:s7], $0x2FFFF;
	_ =	strace $0x9FFFFFFF  }
0x3a: {  	(tm) =	ssettm $0x7FFFFFFF  }
0x3b: {  	_ =	shalt  }
tec
execute0_lowered:
.L_overlay_start_1:
0x0: {  	(tag) =	ssettag $0x1  }
0x1: {  	s0 =	srdreg.scid  }
0x2: {  	s1 =	sshll.u32 s0, $0x4  }
0x3: {  	s0 =	stileid.u32;
	s1 =	sand.u32 $0x10, s1  }
0x4: {  	s1 =	sor.u32 s0, s1  }
0x5: {  	s6 =	rddreg [dreg:$0x0];
	s4 =	simm.s32 $0x1;
	s2 =	sshll.u32 s1, $0x7  }
0x6: {  	s7 =	simm.s32 $0x2;
	s12 =	simm.s32 $0x0;
	s1 =	ssub.s32 $0x4000, s2  }
0x7: {  	s8 =	simm.s32 $0x20000;
	s13 =	simm.s32 $0x0;
	s3 =	sand.u32 $0xF80, s1  }
0x8: {  	s9 =	simm.s32 $0x0;
	s5 =	sshrl.u32 s1, $0xC;
	p0 =	sne.s32 s3, $0x0  }
.Ltmp0:
0x9: {  	s1 =	rddreg [dreg:$0x2];
	s4 =	simm.s32 @!p0 $0x0;
	(pc) =	sbr.rel .LBB1_1-.Ltmp0, $4  }
0xa: {  	s11 =	simm.s32 $0x0;
	s3 =	rddreg [dreg:$0x1];
	s5 =	sadd.s32 s4, s5  }
0xb: {  	_ =	strace $0x8000004A;
	s4 =	simm.s32 $0x1;
	s5 =	smul.u32 $0x32, s5  }
0xc: {  	s6 =	sadd.s32 $0xA00, s6;
	s10 =	smov.u32 s2;
	[sflag:s4] =	ssyncpa.u1 $0x0  }
0xd: {  	p0 =	por $0x0, $0x0;
	[sflag:s7] =	ssyncpa.u1 $0x0;
	s7 =	sor.u32 $0x1, s5  }
.LBB1_4:
0xe: {  	s16 =	sshll.u32 s13, $0x3;
	s17 =	sand.u32 $0x78, s13  }
0xf: {  	s30 =	sand.u32 $0x1F800, s13;
	s12 =	sshll.u32 s12, $0x11;
	s16 =	sand.u32 $0x3C00, s16  }
0x10: {  	[tilespmem:s15+$0x810 ss:$0x81] =	vst.msk $0xffff, v2;
	s31 =	sand.u32 $0x7, s13;
	s16 =	sor.u32 s17, s16;
	s17 =	sadd.s32 s3, s30  }
0x11: {  	[tilespmem:s15+$0x1020 ss:$0x81] =	vst.msk $0xffff, v0;
	s13 =	sshll.u32 s31, $0x12;
	s12 =	sadd.s32 s12, s17;
	s16 =	sshrl.u32 s16, $0x3  }
0x12: {  	[tilespmem:s15+$0x0 ss:$0x81] =	vst.msk $0xffff, v1;
	s13 =	sor.u32 $0x400, s13;
	s12 =	sadd.s32 s16, s12  }
0x13: {  	[hbm4b:s12+s13] =	stream.strided.scatter [tilespmem:s14], [sflag:$0x2], $0x2000, s8, s13, $0x20;
	[tilespmem:$0x8080] =	vst v63  }
.LBB1_5:
0x14: {  	s14 =	sadd.s32 $0x1, s9  }
0x15: {  	s12 =	sadd.s32 $0x1000, s10;
	s16 =	smov.u32 s10;
	p2 =	sgt.s32 s14, $0x31  }
0x16: {  	s16 =	smov.u32 @p2 s12  }
0x17: {  	s14 =	simm.s32 @p2 $0x0;
	p2 =	sgt.s32 s16, $0x3FFF  }
0x18: {  	s16 =	smov.u32 @p2 s2;
	p2 =	sne.s32 s11, s7  }
.Ltmp1:
0x19: {  	p1 =	slt.u32 s11, $0x2;
	(pc) =	sbr.rel @!p2 .LBB1_6-.Ltmp1, $4  }
0x1a: {  	s15 =	simm.s32 @!p1 $0x2  }
0x1b: {  	s13 =	smov.u32 s10;
	p0 =	por !p0, !p0;
	_ =	swait.ge @!p1 [sflag:s15], $0x2000  }
0x1c: {  	s12 =	smov.u32 s9;
	[sflag:s15] =	ssyncset.done @!p1 $0x0;
	s9 =	smov.u32 s14  }
0x1d: {  	s11 =	sadd.s32 $0x1, s11;
	[sflag:s15] =	ssyncadd.s32 @!p1 $0xFFFFE000;
	s10 =	smov.u32 s16  }
.LBB1_1:
0x1e: {  	p1 =	sge.u32 s11, s5  }
0x1f: {  	s14 =	sand.u32 @!p1 $0x1FFFFFF, s9  }
0x20: {  	s15 =	smulhi.u32 @!p1 $0x4924925, s14;
	_ =	sdelay $0x1  }
0x21: {  	s15 =	smul.u32 @!p1 $0x38, s15  }
0x22: {  	s16 =	sxor.u32 @!p1 $0xFFFFFFFF, s11;
	s17 =	smul.u32 @!p1 $0x380, s10  }
0x23: {  	s31 =	sadd.s32 $0xFFFFFFFF, s11;
	s16 =	sshll.u32 @!p1 s16, $0xD;
	s14 =	ssub.s32 @!p1 s14, s15  }
0x24: {  	s15 =	sand.u32 @!p1 $0x2000, s16;
	s16 =	sadd.s32 @!p1 s6, s17;
	s14 =	sshll.u32 @!p1 s14, $0x4  }
0x25: {  	s17 =	simm.s32 @!p1 $0x1C00;
	s14 =	sadd.s32 @!p1 s14, s16;
	s16 =	simm.s32 @!p1 $0x40  }
0x26: {  	[tilespmem:s15], [sflag:$0x1] =	stream.strided.gather @!p1 [hbm4b:s14+s16], $0x2000, s17, s16, $0x38;
	[tilespmem:$0x8080] =	vst v63  }
0x27: {  	p1 =	sge.u32 s31, s5  }
.Ltmp2:
0x28: {  	_ = 	snop;
	(pc) =	sbr.rel @p1 .LBB1_5-.Ltmp2, $1  }
0x29: {  	_ =	sdelay $0x3  }
0x2a: {  	s14 =	simm.s32 $0x1  }
0x2b: {  	_ =	swait.ge [sflag:s4], $0x2000;
	s14 =	simm.s32 @!p0 $0x0  }
0x2c: {  	[sflag:s4] =	ssyncset.done $0x0;
	s15 =	sshll.u32 s14, $0xD  }
0x2d: {  	[sflag:s4] =	ssyncadd.s32 $0xFFFFE000;
	s18 =	sor.u32 $0x20, s15  }
0x2e: {  	s14 =	smul.u32 $0x8100, s14;
	v3 =	vld [tilespmem:s18+$0x10]  }
0x2f: {  	s30 =	sand.u32 $0x1, s11;
	v2 =	vld [tilespmem:s18+$0xFFFFFFF0]  }
0x30: {  	s15 =	smul.u32 $0x8100, s30;
	s14 =	sshrl.u32 s14, $0x2;
	v0 =	vld [tilespmem:s18+$0x0]  }
0x31: {  	v1 =	vld [tilespmem:s18+$0xFFFFFFE0];
	s16 =	sor.u32 $0x4000, s14  }
0x32: {  	s31 =	sshrl.u32 s15, $0x2;
	s15 =	sadd.s32 $0x0, s16  }
0x33: {  	s17 =	simm.s32 $0x4;
	s18 =	sadd.s32 $0x40, s18;
	s14 =	sor.u32 $0x4000, s31;
	[tilespmem:s15+$0x1830 ss:$0x81] =	vst.msk $0xffff, v3  }
.LBB1_3:
0x34: {  	v3 =	vld [tilespmem:s18+$0x10];
	p1 =	sne.s32 s17, $0x1FC;
	[tilespmem:s15+$0x810 ss:$0x81] =	vst.msk $0xffff, v2;
	s19 =	smov.u32 s17;
	s17 =	sadd.s32 $0x4, s17  }
.Ltmp3:
0x35: {  	v2 =	vld [tilespmem:s18+$0xFFFFFFF0];
	[tilespmem:s15+$0x1020 ss:$0x81] =	vst.msk $0xffff, v0;
	(pc) =	sbr.rel @p1 .LBB1_3-.Ltmp3, $4  }
0x36: {  	v0 =	vld [tilespmem:s18+$0x0];
	[tilespmem:s15+$0x0 ss:$0x81] =	vst.msk $0xffff, v1  }
0x37: {  	s15 =	sshra.s32 s19, $0x2;
	v1 =	vld [tilespmem:s18+$0xFFFFFFE0]  }
0x38: {  	s15 =	sadd.s32 s15, s16  }
0x39: {  	s18 =	sadd.s32 $0x40, s18;
	[tilespmem:s15+$0x1830 ss:$0x81] =	vst.msk $0xffff, v3  }
.Ltmp4:
0x3a: {  	_ = 	snop;
	(pc) =	sbr.rel .LBB1_4-.Ltmp4, $1  }
0x3b: {  	_ =	sdelay $0x3  }
.LBB1_6:
0x3c: {  	_ =	sfence.sel $0x180000  }
0x3d: {  	s2 =	simm.s32 $0x1;
	[bflag:$0x0] =	sbarrier.arrive $0xFFFF  }
0x3e: {  	s31 =	simm.s32 $0x2;
	[sflag:s2] =	ssyncpa.u1 $0x1  }
0x3f: {  	[sflag:s31] =	ssyncpa.u1 $0x1  }
0x40: {  	p0 =	sne.s32 s0, $0x0;
	_ =	strace $0x9000004A  }
0x41: {  	s0 =	sadd.s32 @!p0 $0x100000, s1;
	[bflag:$0x2] =	sbarrier.arrive $0xFFFF  }
0x42: {  	[sflag:s0] =	ssyncadd.tile.s32 @!p0 $0x1;
	_ =	shalt  }
.Lfunc_end1:
_tile_overlayer_lowered:
.L_overlay_start_2:
0x43: {  	(tag) =	ssettag $0x2  }
0x44: {  	s0 =	rddreg [dreg:$0x0];
	s2 =	stileid.u32  }
0x45: {  	s1 =	rddreg [dreg:$0x1];
	p0 =	sne.s32 s2, $0x0  }
0x46: {  	s3 =	rddreg [dreg:$0x2];
	[bflag:$0x3] =	sbarrier.arrive $0xFFFF;
	s2 =	simm.s32 @!p0 $0x1C01  }
0x47: {  	[timem:s3], [sflag:s2] =	dma.local @!p0 [hbm:s0], s1  }
0x48: {  	s0 =	simm.s32 @!p0 $0x1  }
0x49: {  	_ =	swait.ge @!p0 [sflag:s0], s1  }
0x4a: {  	s1 =	ssub.s32 @!p0 $0x0, s1;
	[sflag:s0] =	ssyncset.done @!p0 $0x0  }
0x4b: {  	[sflag:s0] =	ssyncadd.s32 @!p0 s1  }
0x4c: {  	[bflag:$0x3] =	sbarrier.arrive $0xFFFF  }
0x4d: {  	_ =	shalt  }

</sc_bundles>
